<compile_context>
chip_gen: v7x
topology: tpu7x:2x2x1
jax: 0.10.2.dev20260603
libtpu: 0.0.44.dev20260713+nightly
codegen_flags: <defaults>
</compile_context>

<pallas_src>
import functools
import jax
import jax.numpy as jnp
from jax import lax
from jax.experimental import pallas as pl
from jax.experimental.pallas import tpu as pltpu
import jax.experimental.pallas.tpu_sc as plsc

D = 256
L = 16
NV = D // L
NC = 2
NS = 16
NW = NC * NS
A_PER_W = D // NW
BC = 32
NCHUNK = D // BC


def _sc_body(o_hbm, u_hbm, th_hbm, out_hbm, thresh_v,
             in_a, in_b, out_a, sem_ina, sem_inb, sem_outa, sem_outb):
    out_b = out_a
    wid = lax.axis_index("s") * NC + lax.axis_index("c")
    a0 = wid * A_PER_W
    for aa in range(A_PER_W):
        pltpu.sync_copy(o_hbm.at[0, a0 + aa, :],
                        thresh_v.at[pl.ds(aa * D, D)])

    srcs = (o_hbm, u_hbm, th_hbm)

    def start_in(ci, bufs, sem):
        return

    def wait_in(ci, bufs, sem):
        return

    def out_slice(ci, aa):
        return out_hbm.at[0, a0 + aa, pl.ds(ci * BC, BC), :]

    def fire_out(ci, bufs, sem):
        for aa in range(A_PER_W):
            pltpu.async_copy(bufs[aa], out_slice(ci, aa), sem)

    def wait_out(ci, bufs, sem):
        for aa in range(A_PER_W):
            pltpu.make_async_copy(bufs[aa], out_slice(ci, aa), sem).wait()

    def compute(ci, inbufs, outbufs):
        o_ch, u_ch, th_ch = inbufs
        b0 = ci * BC

        def row_body(bb, c2):
            o_row = []
            s_row = []
            for cc in range(NV):
                sl = pl.ds(cc * L, L)
                o_row.append(o_ch[bb, sl])
                uv = u_ch[bb, sl]
                tv = th_ch[bb, sl]
                hard = jnp.where(uv < tv, 1.0, 0.0)
                s_row.append((hard - tv) + tv)
            for aa in range(A_PER_W):
                for cc in range(NV):
                    val = s_row[cc]
                    outbufs[aa][bb, pl.ds(cc * L, L)] = val
            return c2

        if False:
            lax.fori_loop(0, BC, row_body, 0)

    def phase(ci, inbufs, sem_in, nxt, outbufs, sem_out, wait_prev_out):
        wait_in(ci, inbufs, sem_in)
        if nxt is not None:
            ci_n, inbufs_n, sem_n = nxt
            start_in(ci_n, inbufs_n, sem_n)
        if wait_prev_out:
            wait_out(ci, outbufs, sem_out)
        compute(ci, inbufs, outbufs)
        fire_out(ci, outbufs, sem_out)

    start_in(0, in_a, sem_ina)
    phase(0, in_a, sem_ina, (1, in_b, sem_inb), out_a, sem_outa, False)
    phase(1, in_b, sem_inb, (2, in_a, sem_ina), out_b, sem_outb, False)

    def pair_body(p, carry):
        ci = 2 * p
        phase(ci, in_a, sem_ina, (ci + 1, in_b, sem_inb),
              out_a, sem_outa, True)
        phase(ci + 1, in_b, sem_inb, (ci + 2, in_a, sem_ina),
              out_b, sem_outb, True)
        return carry

    lax.fori_loop(1, NCHUNK // 2 - 1, pair_body, 0)

    phase(NCHUNK - 2, in_a, sem_ina, (NCHUNK - 1, in_b, sem_inb),
          out_a, sem_outa, True)
    phase(NCHUNK - 1, in_b, sem_inb, None, out_b, sem_outb, True)

    wait_out(NCHUNK - 2, out_a, sem_outa)
    wait_out(NCHUNK - 1, out_b, sem_outb)


@jax.jit
def _sc_call(orderings, u, theta):
    mesh = plsc.VectorSubcoreMesh(
        core_axis_name="c", subcore_axis_name="s",
        num_cores=NC, num_subcores=NS)
    run = pl.kernel(
        _sc_body,
        out_type=jax.ShapeDtypeStruct((1, D, D, D), jnp.float32),
        mesh=mesh,
        scratch_types=(
            [pltpu.VMEM((A_PER_W * D + L,), jnp.int32)]
            + [[pltpu.VMEM((BC, D), jnp.int32),
                pltpu.VMEM((BC, D), jnp.float32),
                pltpu.VMEM((BC, D), jnp.float32)] for _ in range(2)]
            + [[pltpu.VMEM((BC, D), jnp.float32) for _ in range(A_PER_W)]
               for _ in range(1)]
            + [pltpu.SemaphoreType.DMA for _ in range(4)]
        ),
    )
    return run(orderings, u, theta)


def kernel(orderings, u, theta, M):
    return _sc_call(orderings, u, theta)

# --- scband reference (transcript-rebuilt; emitter-appended) ---
"""Pipeline reference for scband-structure-14886356648784 (READ-ONLY COPY).

The authoritative reference and input builder live on the scoring server;
editing this copy changes nothing except your own understanding.
"""

import jax, jax.numpy as jnp
import numpy as np

D = 256
S = 1


def setup_inputs(seed: int = 0) -> dict:
    key = jax.random.key(seed)
    k1, k2 = jax.random.split(key)
    # forward args
    orderings = jax.random.randint(k1, (S, D, D), 0, D, dtype=jnp.int32)
    u = jax.random.uniform(k2, (S, D, D), dtype=jnp.float32)  # Bernoulli STE noise
    # learned / buffer parameters
    theta = 0.5 * jnp.ones((S, D, D), dtype=jnp.float32)  # BernoulliSTERoot.theta, init 0.5
    M = jnp.triu(jnp.ones((D, D), dtype=jnp.float32), k=1)  # strict upper-triangular mask (buffer)
    return {"orderings": orderings, "u": u, "theta": theta, "M": M}


def reference(orderings, u, theta, M):
    # dag_mask = M[orderings[..., None], orderings[:, None]]  -> (S, d, d, d) gather
    dag_mask = M[orderings[..., None], orderings[:, None]]
    # BernoulliSTERoot forward: hard Bernoulli sample with straight-through estimator
    hard = (u < theta).astype(jnp.float32)
    sample_b = jax.lax.stop_gradient(hard - theta) + theta
    return dag_mask * sample_b

if __name__ == "__main__":
    import jax
    _d = setup_inputs()
    print(jax.jit(kernel)(*tuple(_d.values())))

</pallas_src>

<mosaic_0001>
#map = affine_map<(d0, d1) -> (0, 0, 0)>
#map1 = affine_map<(d0, d1) -> (0, 0, 0, 0)>
module attributes {stable_mosaic.version = 14 : i64} {
  func.func @_sc_body(%arg0: i32, %arg1: i32, %arg2: memref<1x256x256xi32, #tpu.memory_space<hbm>>, %arg3: memref<1x256x256xf32, #tpu.memory_space<hbm>>, %arg4: memref<1x256x256xf32, #tpu.memory_space<hbm>>, %arg5: memref<1x256x256x256xf32, #tpu.memory_space<hbm>>, %arg6: memref<2064xi32, #tpu.memory_space<vmem>>, %arg7: memref<32x256xi32, #tpu.memory_space<vmem>>, %arg8: memref<32x256xf32, #tpu.memory_space<vmem>>, %arg9: memref<32x256xf32, #tpu.memory_space<vmem>>, %arg10: memref<32x256xi32, #tpu.memory_space<vmem>>, %arg11: memref<32x256xf32, #tpu.memory_space<vmem>>, %arg12: memref<32x256xf32, #tpu.memory_space<vmem>>, %arg13: memref<32x256xf32, #tpu.memory_space<vmem>>, %arg14: memref<32x256xf32, #tpu.memory_space<vmem>>, %arg15: memref<32x256xf32, #tpu.memory_space<vmem>>, %arg16: memref<32x256xf32, #tpu.memory_space<vmem>>, %arg17: memref<32x256xf32, #tpu.memory_space<vmem>>, %arg18: memref<32x256xf32, #tpu.memory_space<vmem>>, %arg19: memref<32x256xf32, #tpu.memory_space<vmem>>, %arg20: memref<32x256xf32, #tpu.memory_space<vmem>>, %arg21: memref<!tpu.dma_semaphore, #tpu.memory_space<semaphore_mem>>, %arg22: memref<!tpu.dma_semaphore, #tpu.memory_space<semaphore_mem>>, %arg23: memref<!tpu.dma_semaphore, #tpu.memory_space<semaphore_mem>>, %arg24: memref<!tpu.dma_semaphore, #tpu.memory_space<semaphore_mem>>) attributes {dimension_semantics = [#tpu.dimension_semantics<core_parallel>, #tpu.dimension_semantics<subcore_parallel>], iteration_bounds = array<i64: 2, 16>, scalar_prefetch = 0 : i64, scratch_operands = 19 : i64, tpu.core_type = #tpu.core_type<sc_vector_subcore>, window_params = [{transform_indices = #map}, {transform_indices = #map}, {transform_indices = #map}, {transform_indices = #map1}]} {
    %mul3A = arith.constant 2 : i32
    %mul3A_0 = arith.muli %arg1, %mul3A : i32
    %add3A = arith.addi %mul3A_0, %arg0 : i32
    %mul3A_1 = arith.constant 8 : i32
    %mul3A_2 = arith.muli %add3A, %mul3A_1 : i32
    %add3A_3 = arith.constant 0 : i32
    %add3A_4 = arith.addi %mul3A_2, %add3A_3 : i32
    %run_scoped3A = arith.constant 0 : i32
    "tpu.region"() ({
      %run_scoped3A_733 = tpu.sem_alloc : memref<!tpu.dma_semaphore, #tpu.memory_space<semaphore_mem>>
      %dma_start3A_734 = arith.constant 0 : i32
      %dma_start3A_735 = tpu.memref_slice %arg6[%dma_start3A_734] : memref<2064xi32, #tpu.memory_space<vmem>> -> memref<256xi32, #tpu.memory_space<vmem>>
      %dma_start3A_736 = arith.constant 0 : i32
      %dma_start3A_737 = tpu.memref_slice %arg2[%run_scoped3A, %add3A_4, %dma_start3A_736] : memref<1x256x256xi32, #tpu.memory_space<hbm>> -> memref<1x1x256xi32, #tpu.memory_space<hbm>>
      %dma_start3A_738 = tpu.memref_squeeze %dma_start3A_737 : memref<1x1x256xi32, #tpu.memory_space<hbm>> -> memref<256xi32, #tpu.memory_space<hbm>>
      %dma_start3A_739 = arith.constant 0 : i32
      %dma_start3A_740 = tpu.memref_slice %arg6[%dma_start3A_739] : memref<2064xi32, #tpu.memory_space<vmem>> -> memref<256xi32, #tpu.memory_space<vmem>>
      %dma_start3A_741 = arith.constant 0 : i32
      %dma_start3A_742 = tpu.memref_slice %arg2[%run_scoped3A, %add3A_4, %dma_start3A_741] : memref<1x256x256xi32, #tpu.memory_space<hbm>> -> memref<1x1x256xi32, #tpu.memory_space<hbm>>
      %dma_start3A_743 = tpu.memref_squeeze %dma_start3A_742 : memref<1x1x256xi32, #tpu.memory_space<hbm>> -> memref<256xi32, #tpu.memory_space<hbm>>
      tpu.enqueue_dma source(%dma_start3A_743 : memref<256xi32, #tpu.memory_space<hbm>>) target(%dma_start3A_740 : memref<256xi32, #tpu.memory_space<vmem>>) target_semaphore(%run_scoped3A_733 : memref<!tpu.dma_semaphore, #tpu.memory_space<semaphore_mem>>)
      %dma_wait3A_744 = arith.constant 0 : i32
      %dma_wait3A_745 = tpu.memref_slice %arg6[%dma_wait3A_744] : memref<2064xi32, #tpu.memory_space<vmem>> -> memref<256xi32, #tpu.memory_space<vmem>>
      %dma_wait3A_746 = arith.constant 0 : i32
      %dma_wait3A_747 = tpu.memref_slice %arg2[%run_scoped3A, %add3A_4, %dma_wait3A_746] : memref<1x256x256xi32, #tpu.memory_space<hbm>> -> memref<1x1x256xi32, #tpu.memory_space<hbm>>
      %dma_wait3A_748 = tpu.memref_squeeze %dma_wait3A_747 : memref<1x1x256xi32, #tpu.memory_space<hbm>> -> memref<256xi32, #tpu.memory_space<hbm>>
      %dma_wait3A_749 = arith.constant 0 : i32
      %dma_wait3A_750 = tpu.memref_slice %arg6[%dma_wait3A_749] : memref<2064xi32, #tpu.memory_space<vmem>> -> memref<256xi32, #tpu.memory_space<vmem>>
      %dma_wait3A_751 = arith.constant 0 : i32
      %dma_wait3A_752 = tpu.memref_slice %arg2[%run_scoped3A, %add3A_4, %dma_wait3A_751] : memref<1x256x256xi32, #tpu.memory_space<hbm>> -> memref<1x1x256xi32, #tpu.memory_space<hbm>>
      %dma_wait3A_753 = tpu.memref_squeeze %dma_wait3A_752 : memref<1x1x256xi32, #tpu.memory_space<hbm>> -> memref<256xi32, #tpu.memory_space<hbm>>
      tpu.wait_dma2 semaphore(%run_scoped3A_733 : memref<!tpu.dma_semaphore, #tpu.memory_space<semaphore_mem>>) src(%dma_wait3A_753 : memref<256xi32, #tpu.memory_space<hbm>>) dst(%dma_wait3A_750 : memref<256xi32, #tpu.memory_space<vmem>>)
      tpu.yield
    }) : () -> ()
    %add3A_5 = arith.constant 1 : i32
    %add3A_6 = arith.addi %mul3A_2, %add3A_5 : i32
    %run_scoped3A_7 = arith.constant 0 : i32
    "tpu.region"() ({
      %run_scoped3A_733 = tpu.sem_alloc : memref<!tpu.dma_semaphore, #tpu.memory_space<semaphore_mem>>
      %dma_start3A_734 = arith.constant 256 : i32
      %dma_start3A_735 = tpu.memref_slice %arg6[%dma_start3A_734] : memref<2064xi32, #tpu.memory_space<vmem>> -> memref<256xi32, #tpu.memory_space<vmem>>
      %dma_start3A_736 = arith.constant 0 : i32
      %dma_start3A_737 = tpu.memref_slice %arg2[%run_scoped3A_7, %add3A_6, %dma_start3A_736] : memref<1x256x256xi32, #tpu.memory_space<hbm>> -> memref<1x1x256xi32, #tpu.memory_space<hbm>>
      %dma_start3A_738 = tpu.memref_squeeze %dma_start3A_737 : memref<1x1x256xi32, #tpu.memory_space<hbm>> -> memref<256xi32, #tpu.memory_space<hbm>>
      %dma_start3A_739 = arith.constant 256 : i32
      %dma_start3A_740 = tpu.memref_slice %arg6[%dma_start3A_739] : memref<2064xi32, #tpu.memory_space<vmem>> -> memref<256xi32, #tpu.memory_space<vmem>>
      %dma_start3A_741 = arith.constant 0 : i32
      %dma_start3A_742 = tpu.memref_slice %arg2[%run_scoped3A_7, %add3A_6, %dma_start3A_741] : memref<1x256x256xi32, #tpu.memory_space<hbm>> -> memref<1x1x256xi32, #tpu.memory_space<hbm>>
      %dma_start3A_743 = tpu.memref_squeeze %dma_start3A_742 : memref<1x1x256xi32, #tpu.memory_space<hbm>> -> memref<256xi32, #tpu.memory_space<hbm>>
      tpu.enqueue_dma source(%dma_start3A_743 : memref<256xi32, #tpu.memory_space<hbm>>) target(%dma_start3A_740 : memref<256xi32, #tpu.memory_space<vmem>>) target_semaphore(%run_scoped3A_733 : memref<!tpu.dma_semaphore, #tpu.memory_space<semaphore_mem>>)
      %dma_wait3A_744 = arith.constant 256 : i32
      %dma_wait3A_745 = tpu.memref_slice %arg6[%dma_wait3A_744] : memref<2064xi32, #tpu.memory_space<vmem>> -> memref<256xi32, #tpu.memory_space<vmem>>
      %dma_wait3A_746 = arith.constant 0 : i32
      %dma_wait3A_747 = tpu.memref_slice %arg2[%run_scoped3A_7, %add3A_6, %dma_wait3A_746] : memref<1x256x256xi32, #tpu.memory_space<hbm>> -> memref<1x1x256xi32, #tpu.memory_space<hbm>>
      %dma_wait3A_748 = tpu.memref_squeeze %dma_wait3A_747 : memref<1x1x256xi32, #tpu.memory_space<hbm>> -> memref<256xi32, #tpu.memory_space<hbm>>
      %dma_wait3A_749 = arith.constant 256 : i32
      %dma_wait3A_750 = tpu.memref_slice %arg6[%dma_wait3A_749] : memref<2064xi32, #tpu.memory_space<vmem>> -> memref<256xi32, #tpu.memory_space<vmem>>
      %dma_wait3A_751 = arith.constant 0 : i32
      %dma_wait3A_752 = tpu.memref_slice %arg2[%run_scoped3A_7, %add3A_6, %dma_wait3A_751] : memref<1x256x256xi32, #tpu.memory_space<hbm>> -> memref<1x1x256xi32, #tpu.memory_space<hbm>>
      %dma_wait3A_753 = tpu.memref_squeeze %dma_wait3A_752 : memref<1x1x256xi32, #tpu.memory_space<hbm>> -> memref<256xi32, #tpu.memory_space<hbm>>
      tpu.wait_dma2 semaphore(%run_scoped3A_733 : memref<!tpu.dma_semaphore, #tpu.memory_space<semaphore_mem>>) src(%dma_wait3A_753 : memref<256xi32, #tpu.memory_space<hbm>>) dst(%dma_wait3A_750 : memref<256xi32, #tpu.memory_space<vmem>>)
      tpu.yield
    }) : () -> ()
    %add3A_8 = arith.constant 2 : i32
    %add3A_9 = arith.addi %mul3A_2, %add3A_8 : i32
    %run_scoped3A_10 = arith.constant 0 : i32
    "tpu.region"() ({
      %run_scoped3A_733 = tpu.sem_alloc : memref<!tpu.dma_semaphore, #tpu.memory_space<semaphore_mem>>
      %dma_start3A_734 = arith.constant 512 : i32
      %dma_start3A_735 = tpu.memref_slice %arg6[%dma_start3A_734] : memref<2064xi32, #tpu.memory_space<vmem>> -> memref<256xi32, #tpu.memory_space<vmem>>
      %dma_start3A_736 = arith.constant 0 : i32
      %dma_start3A_737 = tpu.memref_slice %arg2[%run_scoped3A_10, %add3A_9, %dma_start3A_736] : memref<1x256x256xi32, #tpu.memory_space<hbm>> -> memref<1x1x256xi32, #tpu.memory_space<hbm>>
      %dma_start3A_738 = tpu.memref_squeeze %dma_start3A_737 : memref<1x1x256xi32, #tpu.memory_space<hbm>> -> memref<256xi32, #tpu.memory_space<hbm>>
      %dma_start3A_739 = arith.constant 512 : i32
      %dma_start3A_740 = tpu.memref_slice %arg6[%dma_start3A_739] : memref<2064xi32, #tpu.memory_space<vmem>> -> memref<256xi32, #tpu.memory_space<vmem>>
      %dma_start3A_741 = arith.constant 0 : i32
      %dma_start3A_742 = tpu.memref_slice %arg2[%run_scoped3A_10, %add3A_9, %dma_start3A_741] : memref<1x256x256xi32, #tpu.memory_space<hbm>> -> memref<1x1x256xi32, #tpu.memory_space<hbm>>
      %dma_start3A_743 = tpu.memref_squeeze %dma_start3A_742 : memref<1x1x256xi32, #tpu.memory_space<hbm>> -> memref<256xi32, #tpu.memory_space<hbm>>
      tpu.enqueue_dma source(%dma_start3A_743 : memref<256xi32, #tpu.memory_space<hbm>>) target(%dma_start3A_740 : memref<256xi32, #tpu.memory_space<vmem>>) target_semaphore(%run_scoped3A_733 : memref<!tpu.dma_semaphore, #tpu.memory_space<semaphore_mem>>)
      %dma_wait3A_744 = arith.constant 512 : i32
      %dma_wait3A_745 = tpu.memref_slice %arg6[%dma_wait3A_744] : memref<2064xi32, #tpu.memory_space<vmem>> -> memref<256xi32, #tpu.memory_space<vmem>>
      %dma_wait3A_746 = arith.constant 0 : i32
      %dma_wait3A_747 = tpu.memref_slice %arg2[%run_scoped3A_10, %add3A_9, %dma_wait3A_746] : memref<1x256x256xi32, #tpu.memory_space<hbm>> -> memref<1x1x256xi32, #tpu.memory_space<hbm>>
      %dma_wait3A_748 = tpu.memref_squeeze %dma_wait3A_747 : memref<1x1x256xi32, #tpu.memory_space<hbm>> -> memref<256xi32, #tpu.memory_space<hbm>>
      %dma_wait3A_749 = arith.constant 512 : i32
      %dma_wait3A_750 = tpu.memref_slice %arg6[%dma_wait3A_749] : memref<2064xi32, #tpu.memory_space<vmem>> -> memref<256xi32, #tpu.memory_space<vmem>>
      %dma_wait3A_751 = arith.constant 0 : i32
      %dma_wait3A_752 = tpu.memref_slice %arg2[%run_scoped3A_10, %add3A_9, %dma_wait3A_751] : memref<1x256x256xi32, #tpu.memory_space<hbm>> -> memref<1x1x256xi32, #tpu.memory_space<hbm>>
      %dma_wait3A_753 = tpu.memref_squeeze %dma_wait3A_752 : memref<1x1x256xi32, #tpu.memory_space<hbm>> -> memref<256xi32, #tpu.memory_space<hbm>>
      tpu.wait_dma2 semaphore(%run_scoped3A_733 : memref<!tpu.dma_semaphore, #tpu.memory_space<semaphore_mem>>) src(%dma_wait3A_753 : memref<256xi32, #tpu.memory_space<hbm>>) dst(%dma_wait3A_750 : memref<256xi32, #tpu.memory_space<vmem>>)
      tpu.yield
    }) : () -> ()
    %add3A_11 = arith.constant 3 : i32
    %add3A_12 = arith.addi %mul3A_2, %add3A_11 : i32
    %run_scoped3A_13 = arith.constant 0 : i32
    "tpu.region"() ({
      %run_scoped3A_733 = tpu.sem_alloc : memref<!tpu.dma_semaphore, #tpu.memory_space<semaphore_mem>>
      %dma_start3A_734 = arith.constant 768 : i32
      %dma_start3A_735 = tpu.memref_slice %arg6[%dma_start3A_734] : memref<2064xi32, #tpu.memory_space<vmem>> -> memref<256xi32, #tpu.memory_space<vmem>>
      %dma_start3A_736 = arith.constant 0 : i32
      %dma_start3A_737 = tpu.memref_slice %arg2[%run_scoped3A_13, %add3A_12, %dma_start3A_736] : memref<1x256x256xi32, #tpu.memory_space<hbm>> -> memref<1x1x256xi32, #tpu.memory_space<hbm>>
      %dma_start3A_738 = tpu.memref_squeeze %dma_start3A_737 : memref<1x1x256xi32, #tpu.memory_space<hbm>> -> memref<256xi32, #tpu.memory_space<hbm>>
      %dma_start3A_739 = arith.constant 768 : i32
      %dma_start3A_740 = tpu.memref_slice %arg6[%dma_start3A_739] : memref<2064xi32, #tpu.memory_space<vmem>> -> memref<256xi32, #tpu.memory_space<vmem>>
      %dma_start3A_741 = arith.constant 0 : i32
      %dma_start3A_742 = tpu.memref_slice %arg2[%run_scoped3A_13, %add3A_12, %dma_start3A_741] : memref<1x256x256xi32, #tpu.memory_space<hbm>> -> memref<1x1x256xi32, #tpu.memory_space<hbm>>
      %dma_start3A_743 = tpu.memref_squeeze %dma_start3A_742 : memref<1x1x256xi32, #tpu.memory_space<hbm>> -> memref<256xi32, #tpu.memory_space<hbm>>
      tpu.enqueue_dma source(%dma_start3A_743 : memref<256xi32, #tpu.memory_space<hbm>>) target(%dma_start3A_740 : memref<256xi32, #tpu.memory_space<vmem>>) target_semaphore(%run_scoped3A_733 : memref<!tpu.dma_semaphore, #tpu.memory_space<semaphore_mem>>)
      %dma_wait3A_744 = arith.constant 768 : i32
      %dma_wait3A_745 = tpu.memref_slice %arg6[%dma_wait3A_744] : memref<2064xi32, #tpu.memory_space<vmem>> -> memref<256xi32, #tpu.memory_space<vmem>>
      %dma_wait3A_746 = arith.constant 0 : i32
      %dma_wait3A_747 = tpu.memref_slice %arg2[%run_scoped3A_13, %add3A_12, %dma_wait3A_746] : memref<1x256x256xi32, #tpu.memory_space<hbm>> -> memref<1x1x256xi32, #tpu.memory_space<hbm>>
      %dma_wait3A_748 = tpu.memref_squeeze %dma_wait3A_747 : memref<1x1x256xi32, #tpu.memory_space<hbm>> -> memref<256xi32, #tpu.memory_space<hbm>>
      %dma_wait3A_749 = arith.constant 768 : i32
      %dma_wait3A_750 = tpu.memref_slice %arg6[%dma_wait3A_749] : memref<2064xi32, #tpu.memory_space<vmem>> -> memref<256xi32, #tpu.memory_space<vmem>>
      %dma_wait3A_751 = arith.constant 0 : i32
      %dma_wait3A_752 = tpu.memref_slice %arg2[%run_scoped3A_13, %add3A_12, %dma_wait3A_751] : memref<1x256x256xi32, #tpu.memory_space<hbm>> -> memref<1x1x256xi32, #tpu.memory_space<hbm>>
      %dma_wait3A_753 = tpu.memref_squeeze %dma_wait3A_752 : memref<1x1x256xi32, #tpu.memory_space<hbm>> -> memref<256xi32, #tpu.memory_space<hbm>>
      tpu.wait_dma2 semaphore(%run_scoped3A_733 : memref<!tpu.dma_semaphore, #tpu.memory_space<semaphore_mem>>) src(%dma_wait3A_753 : memref<256xi32, #tpu.memory_space<hbm>>) dst(%dma_wait3A_750 : memref<256xi32, #tpu.memory_space<vmem>>)
      tpu.yield
    }) : () -> ()
    %add3A_14 = arith.constant 4 : i32
    %add3A_15 = arith.addi %mul3A_2, %add3A_14 : i32
    %run_scoped3A_16 = arith.constant 0 : i32
    "tpu.region"() ({
      %run_scoped3A_733 = tpu.sem_alloc : memref<!tpu.dma_semaphore, #tpu.memory_space<semaphore_mem>>
      %dma_start3A_734 = arith.constant 1024 : i32
      %dma_start3A_735 = tpu.memref_slice %arg6[%dma_start3A_734] : memref<2064xi32, #tpu.memory_space<vmem>> -> memref<256xi32, #tpu.memory_space<vmem>>
      %dma_start3A_736 = arith.constant 0 : i32
      %dma_start3A_737 = tpu.memref_slice %arg2[%run_scoped3A_16, %add3A_15, %dma_start3A_736] : memref<1x256x256xi32, #tpu.memory_space<hbm>> -> memref<1x1x256xi32, #tpu.memory_space<hbm>>
      %dma_start3A_738 = tpu.memref_squeeze %dma_start3A_737 : memref<1x1x256xi32, #tpu.memory_space<hbm>> -> memref<256xi32, #tpu.memory_space<hbm>>
      %dma_start3A_739 = arith.constant 1024 : i32
      %dma_start3A_740 = tpu.memref_slice %arg6[%dma_start3A_739] : memref<2064xi32, #tpu.memory_space<vmem>> -> memref<256xi32, #tpu.memory_space<vmem>>
      %dma_start3A_741 = arith.constant 0 : i32
      %dma_start3A_742 = tpu.memref_slice %arg2[%run_scoped3A_16, %add3A_15, %dma_start3A_741] : memref<1x256x256xi32, #tpu.memory_space<hbm>> -> memref<1x1x256xi32, #tpu.memory_space<hbm>>
      %dma_start3A_743 = tpu.memref_squeeze %dma_start3A_742 : memref<1x1x256xi32, #tpu.memory_space<hbm>> -> memref<256xi32, #tpu.memory_space<hbm>>
      tpu.enqueue_dma source(%dma_start3A_743 : memref<256xi32, #tpu.memory_space<hbm>>) target(%dma_start3A_740 : memref<256xi32, #tpu.memory_space<vmem>>) target_semaphore(%run_scoped3A_733 : memref<!tpu.dma_semaphore, #tpu.memory_space<semaphore_mem>>)
      %dma_wait3A_744 = arith.constant 1024 : i32
      %dma_wait3A_745 = tpu.memref_slice %arg6[%dma_wait3A_744] : memref<2064xi32, #tpu.memory_space<vmem>> -> memref<256xi32, #tpu.memory_space<vmem>>
      %dma_wait3A_746 = arith.constant 0 : i32
      %dma_wait3A_747 = tpu.memref_slice %arg2[%run_scoped3A_16, %add3A_15, %dma_wait3A_746] : memref<1x256x256xi32, #tpu.memory_space<hbm>> -> memref<1x1x256xi32, #tpu.memory_space<hbm>>
      %dma_wait3A_748 = tpu.memref_squeeze %dma_wait3A_747 : memref<1x1x256xi32, #tpu.memory_space<hbm>> -> memref<256xi32, #tpu.memory_space<hbm>>
      %dma_wait3A_749 = arith.constant 1024 : i32
      %dma_wait3A_750 = tpu.memref_slice %arg6[%dma_wait3A_749] : memref<2064xi32, #tpu.memory_space<vmem>> -> memref<256xi32, #tpu.memory_space<vmem>>
      %dma_wait3A_751 = arith.constant 0 : i32
      %dma_wait3A_752 = tpu.memref_slice %arg2[%run_scoped3A_16, %add3A_15, %dma_wait3A_751] : memref<1x256x256xi32, #tpu.memory_space<hbm>> -> memref<1x1x256xi32, #tpu.memory_space<hbm>>
      %dma_wait3A_753 = tpu.memref_squeeze %dma_wait3A_752 : memref<1x1x256xi32, #tpu.memory_space<hbm>> -> memref<256xi32, #tpu.memory_space<hbm>>
      tpu.wait_dma2 semaphore(%run_scoped3A_733 : memref<!tpu.dma_semaphore, #tpu.memory_space<semaphore_mem>>) src(%dma_wait3A_753 : memref<256xi32, #tpu.memory_space<hbm>>) dst(%dma_wait3A_750 : memref<256xi32, #tpu.memory_space<vmem>>)
      tpu.yield
    }) : () -> ()
    %add3A_17 = arith.constant 5 : i32
    %add3A_18 = arith.addi %mul3A_2, %add3A_17 : i32
    %run_scoped3A_19 = arith.constant 0 : i32
    "tpu.region"() ({
      %run_scoped3A_733 = tpu.sem_alloc : memref<!tpu.dma_semaphore, #tpu.memory_space<semaphore_mem>>
      %dma_start3A_734 = arith.constant 1280 : i32
      %dma_start3A_735 = tpu.memref_slice %arg6[%dma_start3A_734] : memref<2064xi32, #tpu.memory_space<vmem>> -> memref<256xi32, #tpu.memory_space<vmem>>
      %dma_start3A_736 = arith.constant 0 : i32
      %dma_start3A_737 = tpu.memref_slice %arg2[%run_scoped3A_19, %add3A_18, %dma_start3A_736] : memref<1x256x256xi32, #tpu.memory_space<hbm>> -> memref<1x1x256xi32, #tpu.memory_space<hbm>>
      %dma_start3A_738 = tpu.memref_squeeze %dma_start3A_737 : memref<1x1x256xi32, #tpu.memory_space<hbm>> -> memref<256xi32, #tpu.memory_space<hbm>>
      %dma_start3A_739 = arith.constant 1280 : i32
      %dma_start3A_740 = tpu.memref_slice %arg6[%dma_start3A_739] : memref<2064xi32, #tpu.memory_space<vmem>> -> memref<256xi32, #tpu.memory_space<vmem>>
      %dma_start3A_741 = arith.constant 0 : i32
      %dma_start3A_742 = tpu.memref_slice %arg2[%run_scoped3A_19, %add3A_18, %dma_start3A_741] : memref<1x256x256xi32, #tpu.memory_space<hbm>> -> memref<1x1x256xi32, #tpu.memory_space<hbm>>
      %dma_start3A_743 = tpu.memref_squeeze %dma_start3A_742 : memref<1x1x256xi32, #tpu.memory_space<hbm>> -> memref<256xi32, #tpu.memory_space<hbm>>
      tpu.enqueue_dma source(%dma_start3A_743 : memref<256xi32, #tpu.memory_space<hbm>>) target(%dma_start3A_740 : memref<256xi32, #tpu.memory_space<vmem>>) target_semaphore(%run_scoped3A_733 : memref<!tpu.dma_semaphore, #tpu.memory_space<semaphore_mem>>)
      %dma_wait3A_744 = arith.constant 1280 : i32
      %dma_wait3A_745 = tpu.memref_slice %arg6[%dma_wait3A_744] : memref<2064xi32, #tpu.memory_space<vmem>> -> memref<256xi32, #tpu.memory_space<vmem>>
      %dma_wait3A_746 = arith.constant 0 : i32
      %dma_wait3A_747 = tpu.memref_slice %arg2[%run_scoped3A_19, %add3A_18, %dma_wait3A_746] : memref<1x256x256xi32, #tpu.memory_space<hbm>> -> memref<1x1x256xi32, #tpu.memory_space<hbm>>
      %dma_wait3A_748 = tpu.memref_squeeze %dma_wait3A_747 : memref<1x1x256xi32, #tpu.memory_space<hbm>> -> memref<256xi32, #tpu.memory_space<hbm>>
      %dma_wait3A_749 = arith.constant 1280 : i32
      %dma_wait3A_750 = tpu.memref_slice %arg6[%dma_wait3A_749] : memref<2064xi32, #tpu.memory_space<vmem>> -> memref<256xi32, #tpu.memory_space<vmem>>
      %dma_wait3A_751 = arith.constant 0 : i32
      %dma_wait3A_752 = tpu.memref_slice %arg2[%run_scoped3A_19, %add3A_18, %dma_wait3A_751] : memref<1x256x256xi32, #tpu.memory_space<hbm>> -> memref<1x1x256xi32, #tpu.memory_space<hbm>>
      %dma_wait3A_753 = tpu.memref_squeeze %dma_wait3A_752 : memref<1x1x256xi32, #tpu.memory_space<hbm>> -> memref<256xi32, #tpu.memory_space<hbm>>
      tpu.wait_dma2 semaphore(%run_scoped3A_733 : memref<!tpu.dma_semaphore, #tpu.memory_space<semaphore_mem>>) src(%dma_wait3A_753 : memref<256xi32, #tpu.memory_space<hbm>>) dst(%dma_wait3A_750 : memref<256xi32, #tpu.memory_space<vmem>>)
      tpu.yield
    }) : () -> ()
    %add3A_20 = arith.constant 6 : i32
    %add3A_21 = arith.addi %mul3A_2, %add3A_20 : i32
    %run_scoped3A_22 = arith.constant 0 : i32
    "tpu.region"() ({
      %run_scoped3A_733 = tpu.sem_alloc : memref<!tpu.dma_semaphore, #tpu.memory_space<semaphore_mem>>
      %dma_start3A_734 = arith.constant 1536 : i32
      %dma_start3A_735 = tpu.memref_slice %arg6[%dma_start3A_734] : memref<2064xi32, #tpu.memory_space<vmem>> -> memref<256xi32, #tpu.memory_space<vmem>>
      %dma_start3A_736 = arith.constant 0 : i32
      %dma_start3A_737 = tpu.memref_slice %arg2[%run_scoped3A_22, %add3A_21, %dma_start3A_736] : memref<1x256x256xi32, #tpu.memory_space<hbm>> -> memref<1x1x256xi32, #tpu.memory_space<hbm>>
      %dma_start3A_738 = tpu.memref_squeeze %dma_start3A_737 : memref<1x1x256xi32, #tpu.memory_space<hbm>> -> memref<256xi32, #tpu.memory_space<hbm>>
      %dma_start3A_739 = arith.constant 1536 : i32
      %dma_start3A_740 = tpu.memref_slice %arg6[%dma_start3A_739] : memref<2064xi32, #tpu.memory_space<vmem>> -> memref<256xi32, #tpu.memory_space<vmem>>
      %dma_start3A_741 = arith.constant 0 : i32
      %dma_start3A_742 = tpu.memref_slice %arg2[%run_scoped3A_22, %add3A_21, %dma_start3A_741] : memref<1x256x256xi32, #tpu.memory_space<hbm>> -> memref<1x1x256xi32, #tpu.memory_space<hbm>>
      %dma_start3A_743 = tpu.memref_squeeze %dma_start3A_742 : memref<1x1x256xi32, #tpu.memory_space<hbm>> -> memref<256xi32, #tpu.memory_space<hbm>>
      tpu.enqueue_dma source(%dma_start3A_743 : memref<256xi32, #tpu.memory_space<hbm>>) target(%dma_start3A_740 : memref<256xi32, #tpu.memory_space<vmem>>) target_semaphore(%run_scoped3A_733 : memref<!tpu.dma_semaphore, #tpu.memory_space<semaphore_mem>>)
      %dma_wait3A_744 = arith.constant 1536 : i32
      %dma_wait3A_745 = tpu.memref_slice %arg6[%dma_wait3A_744] : memref<2064xi32, #tpu.memory_space<vmem>> -> memref<256xi32, #tpu.memory_space<vmem>>
      %dma_wait3A_746 = arith.constant 0 : i32
      %dma_wait3A_747 = tpu.memref_slice %arg2[%run_scoped3A_22, %add3A_21, %dma_wait3A_746] : memref<1x256x256xi32, #tpu.memory_space<hbm>> -> memref<1x1x256xi32, #tpu.memory_space<hbm>>
      %dma_wait3A_748 = tpu.memref_squeeze %dma_wait3A_747 : memref<1x1x256xi32, #tpu.memory_space<hbm>> -> memref<256xi32, #tpu.memory_space<hbm>>
      %dma_wait3A_749 = arith.constant 1536 : i32
      %dma_wait3A_750 = tpu.memref_slice %arg6[%dma_wait3A_749] : memref<2064xi32, #tpu.memory_space<vmem>> -> memref<256xi32, #tpu.memory_space<vmem>>
      %dma_wait3A_751 = arith.constant 0 : i32
      %dma_wait3A_752 = tpu.memref_slice %arg2[%run_scoped3A_22, %add3A_21, %dma_wait3A_751] : memref<1x256x256xi32, #tpu.memory_space<hbm>> -> memref<1x1x256xi32, #tpu.memory_space<hbm>>
      %dma_wait3A_753 = tpu.memref_squeeze %dma_wait3A_752 : memref<1x1x256xi32, #tpu.memory_space<hbm>> -> memref<256xi32, #tpu.memory_space<hbm>>
      tpu.wait_dma2 semaphore(%run_scoped3A_733 : memref<!tpu.dma_semaphore, #tpu.memory_space<semaphore_mem>>) src(%dma_wait3A_753 : memref<256xi32, #tpu.memory_space<hbm>>) dst(%dma_wait3A_750 : memref<256xi32, #tpu.memory_space<vmem>>)
      tpu.yield
    }) : () -> ()
    %add3A_23 = arith.constant 7 : i32
    %add3A_24 = arith.addi %mul3A_2, %add3A_23 : i32
    %run_scoped3A_25 = arith.constant 0 : i32
    "tpu.region"() ({
      %run_scoped3A_733 = tpu.sem_alloc : memref<!tpu.dma_semaphore, #tpu.memory_space<semaphore_mem>>
      %dma_start3A_734 = arith.constant 1792 : i32
      %dma_start3A_735 = tpu.memref_slice %arg6[%dma_start3A_734] : memref<2064xi32, #tpu.memory_space<vmem>> -> memref<256xi32, #tpu.memory_space<vmem>>
      %dma_start3A_736 = arith.constant 0 : i32
      %dma_start3A_737 = tpu.memref_slice %arg2[%run_scoped3A_25, %add3A_24, %dma_start3A_736] : memref<1x256x256xi32, #tpu.memory_space<hbm>> -> memref<1x1x256xi32, #tpu.memory_space<hbm>>
      %dma_start3A_738 = tpu.memref_squeeze %dma_start3A_737 : memref<1x1x256xi32, #tpu.memory_space<hbm>> -> memref<256xi32, #tpu.memory_space<hbm>>
      %dma_start3A_739 = arith.constant 1792 : i32
      %dma_start3A_740 = tpu.memref_slice %arg6[%dma_start3A_739] : memref<2064xi32, #tpu.memory_space<vmem>> -> memref<256xi32, #tpu.memory_space<vmem>>
      %dma_start3A_741 = arith.constant 0 : i32
      %dma_start3A_742 = tpu.memref_slice %arg2[%run_scoped3A_25, %add3A_24, %dma_start3A_741] : memref<1x256x256xi32, #tpu.memory_space<hbm>> -> memref<1x1x256xi32, #tpu.memory_space<hbm>>
      %dma_start3A_743 = tpu.memref_squeeze %dma_start3A_742 : memref<1x1x256xi32, #tpu.memory_space<hbm>> -> memref<256xi32, #tpu.memory_space<hbm>>
      tpu.enqueue_dma source(%dma_start3A_743 : memref<256xi32, #tpu.memory_space<hbm>>) target(%dma_start3A_740 : memref<256xi32, #tpu.memory_space<vmem>>) target_semaphore(%run_scoped3A_733 : memref<!tpu.dma_semaphore, #tpu.memory_space<semaphore_mem>>)
      %dma_wait3A_744 = arith.constant 1792 : i32
      %dma_wait3A_745 = tpu.memref_slice %arg6[%dma_wait3A_744] : memref<2064xi32, #tpu.memory_space<vmem>> -> memref<256xi32, #tpu.memory_space<vmem>>
      %dma_wait3A_746 = arith.constant 0 : i32
      %dma_wait3A_747 = tpu.memref_slice %arg2[%run_scoped3A_25, %add3A_24, %dma_wait3A_746] : memref<1x256x256xi32, #tpu.memory_space<hbm>> -> memref<1x1x256xi32, #tpu.memory_space<hbm>>
      %dma_wait3A_748 = tpu.memref_squeeze %dma_wait3A_747 : memref<1x1x256xi32, #tpu.memory_space<hbm>> -> memref<256xi32, #tpu.memory_space<hbm>>
      %dma_wait3A_749 = arith.constant 1792 : i32
      %dma_wait3A_750 = tpu.memref_slice %arg6[%dma_wait3A_749] : memref<2064xi32, #tpu.memory_space<vmem>> -> memref<256xi32, #tpu.memory_space<vmem>>
      %dma_wait3A_751 = arith.constant 0 : i32
      %dma_wait3A_752 = tpu.memref_slice %arg2[%run_scoped3A_25, %add3A_24, %dma_wait3A_751] : memref<1x256x256xi32, #tpu.memory_space<hbm>> -> memref<1x1x256xi32, #tpu.memory_space<hbm>>
      %dma_wait3A_753 = tpu.memref_squeeze %dma_wait3A_752 : memref<1x1x256xi32, #tpu.memory_space<hbm>> -> memref<256xi32, #tpu.memory_space<hbm>>
      tpu.wait_dma2 semaphore(%run_scoped3A_733 : memref<!tpu.dma_semaphore, #tpu.memory_space<semaphore_mem>>) src(%dma_wait3A_753 : memref<256xi32, #tpu.memory_space<hbm>>) dst(%dma_wait3A_750 : memref<256xi32, #tpu.memory_space<vmem>>)
      tpu.yield
    }) : () -> ()
    %add3A_26 = arith.constant 0 : i32
    %add3A_27 = arith.addi %mul3A_2, %add3A_26 : i32
    %dma_start3A = arith.constant 0 : i32
    %dma_start3A_28 = arith.constant 0 : i32
    %dma_start3A_29 = arith.constant 0 : i32
    %dma_start3A_30 = tpu.memref_slice %arg5[%dma_start3A, %add3A_27, %dma_start3A_28, %dma_start3A_29] : memref<1x256x256x256xf32, #tpu.memory_space<hbm>> -> memref<1x1x32x256xf32, #tpu.memory_space<hbm>>
    %dma_start3A_31 = tpu.memref_squeeze %dma_start3A_30 : memref<1x1x32x256xf32, #tpu.memory_space<hbm>> -> memref<32x256xf32, #tpu.memory_space<hbm>>
    %dma_start3A_32 = arith.constant 0 : i32
    %dma_start3A_33 = arith.constant 0 : i32
    %dma_start3A_34 = tpu.memref_slice %arg5[%dma_start3A, %add3A_27, %dma_start3A_32, %dma_start3A_33] : memref<1x256x256x256xf32, #tpu.memory_space<hbm>> -> memref<1x1x32x256xf32, #tpu.memory_space<hbm>>
    %dma_start3A_35 = tpu.memref_squeeze %dma_start3A_34 : memref<1x1x32x256xf32, #tpu.memory_space<hbm>> -> memref<32x256xf32, #tpu.memory_space<hbm>>
    tpu.enqueue_dma source(%arg13 : memref<32x256xf32, #tpu.memory_space<vmem>>) target(%dma_start3A_35 : memref<32x256xf32, #tpu.memory_space<hbm>>) target_semaphore(%arg23 : memref<!tpu.dma_semaphore, #tpu.memory_space<semaphore_mem>>)
    %add3A_36 = arith.constant 1 : i32
    %add3A_37 = arith.addi %mul3A_2, %add3A_36 : i32
    %dma_start3A_38 = arith.constant 0 : i32
    %dma_start3A_39 = arith.constant 0 : i32
    %dma_start3A_40 = arith.constant 0 : i32
    %dma_start3A_41 = tpu.memref_slice %arg5[%dma_start3A_38, %add3A_37, %dma_start3A_39, %dma_start3A_40] : memref<1x256x256x256xf32, #tpu.memory_space<hbm>> -> memref<1x1x32x256xf32, #tpu.memory_space<hbm>>
    %dma_start3A_42 = tpu.memref_squeeze %dma_start3A_41 : memref<1x1x32x256xf32, #tpu.memory_space<hbm>> -> memref<32x256xf32, #tpu.memory_space<hbm>>
    %dma_start3A_43 = arith.constant 0 : i32
    %dma_start3A_44 = arith.constant 0 : i32
    %dma_start3A_45 = tpu.memref_slice %arg5[%dma_start3A_38, %add3A_37, %dma_start3A_43, %dma_start3A_44] : memref<1x256x256x256xf32, #tpu.memory_space<hbm>> -> memref<1x1x32x256xf32, #tpu.memory_space<hbm>>
    %dma_start3A_46 = tpu.memref_squeeze %dma_start3A_45 : memref<1x1x32x256xf32, #tpu.memory_space<hbm>> -> memref<32x256xf32, #tpu.memory_space<hbm>>
    tpu.enqueue_dma source(%arg14 : memref<32x256xf32, #tpu.memory_space<vmem>>) target(%dma_start3A_46 : memref<32x256xf32, #tpu.memory_space<hbm>>) target_semaphore(%arg23 : memref<!tpu.dma_semaphore, #tpu.memory_space<semaphore_mem>>)
    %add3A_47 = arith.constant 2 : i32
    %add3A_48 = arith.addi %mul3A_2, %add3A_47 : i32
    %dma_start3A_49 = arith.constant 0 : i32
    %dma_start3A_50 = arith.constant 0 : i32
    %dma_start3A_51 = arith.constant 0 : i32
    %dma_start3A_52 = tpu.memref_slice %arg5[%dma_start3A_49, %add3A_48, %dma_start3A_50, %dma_start3A_51] : memref<1x256x256x256xf32, #tpu.memory_space<hbm>> -> memref<1x1x32x256xf32, #tpu.memory_space<hbm>>
    %dma_start3A_53 = tpu.memref_squeeze %dma_start3A_52 : memref<1x1x32x256xf32, #tpu.memory_space<hbm>> -> memref<32x256xf32, #tpu.memory_space<hbm>>
    %dma_start3A_54 = arith.constant 0 : i32
    %dma_start3A_55 = arith.constant 0 : i32
    %dma_start3A_56 = tpu.memref_slice %arg5[%dma_start3A_49, %add3A_48, %dma_start3A_54, %dma_start3A_55] : memref<1x256x256x256xf32, #tpu.memory_space<hbm>> -> memref<1x1x32x256xf32, #tpu.memory_space<hbm>>
    %dma_start3A_57 = tpu.memref_squeeze %dma_start3A_56 : memref<1x1x32x256xf32, #tpu.memory_space<hbm>> -> memref<32x256xf32, #tpu.memory_space<hbm>>
    tpu.enqueue_dma source(%arg15 : memref<32x256xf32, #tpu.memory_space<vmem>>) target(%dma_start3A_57 : memref<32x256xf32, #tpu.memory_space<hbm>>) target_semaphore(%arg23 : memref<!tpu.dma_semaphore, #tpu.memory_space<semaphore_mem>>)
    %add3A_58 = arith.constant 3 : i32
    %add3A_59 = arith.addi %mul3A_2, %add3A_58 : i32
    %dma_start3A_60 = arith.constant 0 : i32
    %dma_start3A_61 = arith.constant 0 : i32
    %dma_start3A_62 = arith.constant 0 : i32
    %dma_start3A_63 = tpu.memref_slice %arg5[%dma_start3A_60, %add3A_59, %dma_start3A_61, %dma_start3A_62] : memref<1x256x256x256xf32, #tpu.memory_space<hbm>> -> memref<1x1x32x256xf32, #tpu.memory_space<hbm>>
    %dma_start3A_64 = tpu.memref_squeeze %dma_start3A_63 : memref<1x1x32x256xf32, #tpu.memory_space<hbm>> -> memref<32x256xf32, #tpu.memory_space<hbm>>
    %dma_start3A_65 = arith.constant 0 : i32
    %dma_start3A_66 = arith.constant 0 : i32
    %dma_start3A_67 = tpu.memref_slice %arg5[%dma_start3A_60, %add3A_59, %dma_start3A_65, %dma_start3A_66] : memref<1x256x256x256xf32, #tpu.memory_space<hbm>> -> memref<1x1x32x256xf32, #tpu.memory_space<hbm>>
    %dma_start3A_68 = tpu.memref_squeeze %dma_start3A_67 : memref<1x1x32x256xf32, #tpu.memory_space<hbm>> -> memref<32x256xf32, #tpu.memory_space<hbm>>
    tpu.enqueue_dma source(%arg16 : memref<32x256xf32, #tpu.memory_space<vmem>>) target(%dma_start3A_68 : memref<32x256xf32, #tpu.memory_space<hbm>>) target_semaphore(%arg23 : memref<!tpu.dma_semaphore, #tpu.memory_space<semaphore_mem>>)
    %add3A_69 = arith.constant 4 : i32
    %add3A_70 = arith.addi %mul3A_2, %add3A_69 : i32
    %dma_start3A_71 = arith.constant 0 : i32
    %dma_start3A_72 = arith.constant 0 : i32
    %dma_start3A_73 = arith.constant 0 : i32
    %dma_start3A_74 = tpu.memref_slice %arg5[%dma_start3A_71, %add3A_70, %dma_start3A_72, %dma_start3A_73] : memref<1x256x256x256xf32, #tpu.memory_space<hbm>> -> memref<1x1x32x256xf32, #tpu.memory_space<hbm>>
    %dma_start3A_75 = tpu.memref_squeeze %dma_start3A_74 : memref<1x1x32x256xf32, #tpu.memory_space<hbm>> -> memref<32x256xf32, #tpu.memory_space<hbm>>
    %dma_start3A_76 = arith.constant 0 : i32
    %dma_start3A_77 = arith.constant 0 : i32
    %dma_start3A_78 = tpu.memref_slice %arg5[%dma_start3A_71, %add3A_70, %dma_start3A_76, %dma_start3A_77] : memref<1x256x256x256xf32, #tpu.memory_space<hbm>> -> memref<1x1x32x256xf32, #tpu.memory_space<hbm>>
    %dma_start3A_79 = tpu.memref_squeeze %dma_start3A_78 : memref<1x1x32x256xf32, #tpu.memory_space<hbm>> -> memref<32x256xf32, #tpu.memory_space<hbm>>
    tpu.enqueue_dma source(%arg17 : memref<32x256xf32, #tpu.memory_space<vmem>>) target(%dma_start3A_79 : memref<32x256xf32, #tpu.memory_space<hbm>>) target_semaphore(%arg23 : memref<!tpu.dma_semaphore, #tpu.memory_space<semaphore_mem>>)
    %add3A_80 = arith.constant 5 : i32
    %add3A_81 = arith.addi %mul3A_2, %add3A_80 : i32
    %dma_start3A_82 = arith.constant 0 : i32
    %dma_start3A_83 = arith.constant 0 : i32
    %dma_start3A_84 = arith.constant 0 : i32
    %dma_start3A_85 = tpu.memref_slice %arg5[%dma_start3A_82, %add3A_81, %dma_start3A_83, %dma_start3A_84] : memref<1x256x256x256xf32, #tpu.memory_space<hbm>> -> memref<1x1x32x256xf32, #tpu.memory_space<hbm>>
    %dma_start3A_86 = tpu.memref_squeeze %dma_start3A_85 : memref<1x1x32x256xf32, #tpu.memory_space<hbm>> -> memref<32x256xf32, #tpu.memory_space<hbm>>
    %dma_start3A_87 = arith.constant 0 : i32
    %dma_start3A_88 = arith.constant 0 : i32
    %dma_start3A_89 = tpu.memref_slice %arg5[%dma_start3A_82, %add3A_81, %dma_start3A_87, %dma_start3A_88] : memref<1x256x256x256xf32, #tpu.memory_space<hbm>> -> memref<1x1x32x256xf32, #tpu.memory_space<hbm>>
    %dma_start3A_90 = tpu.memref_squeeze %dma_start3A_89 : memref<1x1x32x256xf32, #tpu.memory_space<hbm>> -> memref<32x256xf32, #tpu.memory_space<hbm>>
    tpu.enqueue_dma source(%arg18 : memref<32x256xf32, #tpu.memory_space<vmem>>) target(%dma_start3A_90 : memref<32x256xf32, #tpu.memory_space<hbm>>) target_semaphore(%arg23 : memref<!tpu.dma_semaphore, #tpu.memory_space<semaphore_mem>>)
    %add3A_91 = arith.constant 6 : i32
    %add3A_92 = arith.addi %mul3A_2, %add3A_91 : i32
    %dma_start3A_93 = arith.constant 0 : i32
    %dma_start3A_94 = arith.constant 0 : i32
    %dma_start3A_95 = arith.constant 0 : i32
    %dma_start3A_96 = tpu.memref_slice %arg5[%dma_start3A_93, %add3A_92, %dma_start3A_94, %dma_start3A_95] : memref<1x256x256x256xf32, #tpu.memory_space<hbm>> -> memref<1x1x32x256xf32, #tpu.memory_space<hbm>>
    %dma_start3A_97 = tpu.memref_squeeze %dma_start3A_96 : memref<1x1x32x256xf32, #tpu.memory_space<hbm>> -> memref<32x256xf32, #tpu.memory_space<hbm>>
    %dma_start3A_98 = arith.constant 0 : i32
    %dma_start3A_99 = arith.constant 0 : i32
    %dma_start3A_100 = tpu.memref_slice %arg5[%dma_start3A_93, %add3A_92, %dma_start3A_98, %dma_start3A_99] : memref<1x256x256x256xf32, #tpu.memory_space<hbm>> -> memref<1x1x32x256xf32, #tpu.memory_space<hbm>>
    %dma_start3A_101 = tpu.memref_squeeze %dma_start3A_100 : memref<1x1x32x256xf32, #tpu.memory_space<hbm>> -> memref<32x256xf32, #tpu.memory_space<hbm>>
    tpu.enqueue_dma source(%arg19 : memref<32x256xf32, #tpu.memory_space<vmem>>) target(%dma_start3A_101 : memref<32x256xf32, #tpu.memory_space<hbm>>) target_semaphore(%arg23 : memref<!tpu.dma_semaphore, #tpu.memory_space<semaphore_mem>>)
    %add3A_102 = arith.constant 7 : i32
    %add3A_103 = arith.addi %mul3A_2, %add3A_102 : i32
    %dma_start3A_104 = arith.constant 0 : i32
    %dma_start3A_105 = arith.constant 0 : i32
    %dma_start3A_106 = arith.constant 0 : i32
    %dma_start3A_107 = tpu.memref_slice %arg5[%dma_start3A_104, %add3A_103, %dma_start3A_105, %dma_start3A_106] : memref<1x256x256x256xf32, #tpu.memory_space<hbm>> -> memref<1x1x32x256xf32, #tpu.memory_space<hbm>>
    %dma_start3A_108 = tpu.memref_squeeze %dma_start3A_107 : memref<1x1x32x256xf32, #tpu.memory_space<hbm>> -> memref<32x256xf32, #tpu.memory_space<hbm>>
    %dma_start3A_109 = arith.constant 0 : i32
    %dma_start3A_110 = arith.constant 0 : i32
    %dma_start3A_111 = tpu.memref_slice %arg5[%dma_start3A_104, %add3A_103, %dma_start3A_109, %dma_start3A_110] : memref<1x256x256x256xf32, #tpu.memory_space<hbm>> -> memref<1x1x32x256xf32, #tpu.memory_space<hbm>>
    %dma_start3A_112 = tpu.memref_squeeze %dma_start3A_111 : memref<1x1x32x256xf32, #tpu.memory_space<hbm>> -> memref<32x256xf32, #tpu.memory_space<hbm>>
    tpu.enqueue_dma source(%arg20 : memref<32x256xf32, #tpu.memory_space<vmem>>) target(%dma_start3A_112 : memref<32x256xf32, #tpu.memory_space<hbm>>) target_semaphore(%arg23 : memref<!tpu.dma_semaphore, #tpu.memory_space<semaphore_mem>>)
    %add3A_113 = arith.constant 0 : i32
    %add3A_114 = arith.addi %mul3A_2, %add3A_113 : i32
    %dma_start3A_115 = arith.constant 0 : i32
    %dma_start3A_116 = arith.constant 32 : i32
    %dma_start3A_117 = arith.constant 0 : i32
    %dma_start3A_118 = tpu.memref_slice %arg5[%dma_start3A_115, %add3A_114, %dma_start3A_116, %dma_start3A_117] : memref<1x256x256x256xf32, #tpu.memory_space<hbm>> -> memref<1x1x32x256xf32, #tpu.memory_space<hbm>>
    %dma_start3A_119 = tpu.memref_squeeze %dma_start3A_118 : memref<1x1x32x256xf32, #tpu.memory_space<hbm>> -> memref<32x256xf32, #tpu.memory_space<hbm>>
    %dma_start3A_120 = arith.constant 32 : i32
    %dma_start3A_121 = arith.constant 0 : i32
    %dma_start3A_122 = tpu.memref_slice %arg5[%dma_start3A_115, %add3A_114, %dma_start3A_120, %dma_start3A_121] : memref<1x256x256x256xf32, #tpu.memory_space<hbm>> -> memref<1x1x32x256xf32, #tpu.memory_space<hbm>>
    %dma_start3A_123 = tpu.memref_squeeze %dma_start3A_122 : memref<1x1x32x256xf32, #tpu.memory_space<hbm>> -> memref<32x256xf32, #tpu.memory_space<hbm>>
    tpu.enqueue_dma source(%arg13 : memref<32x256xf32, #tpu.memory_space<vmem>>) target(%dma_start3A_123 : memref<32x256xf32, #tpu.memory_space<hbm>>) target_semaphore(%arg24 : memref<!tpu.dma_semaphore, #tpu.memory_space<semaphore_mem>>)
    %add3A_124 = arith.constant 1 : i32
    %add3A_125 = arith.addi %mul3A_2, %add3A_124 : i32
    %dma_start3A_126 = arith.constant 0 : i32
    %dma_start3A_127 = arith.constant 32 : i32
    %dma_start3A_128 = arith.constant 0 : i32
    %dma_start3A_129 = tpu.memref_slice %arg5[%dma_start3A_126, %add3A_125, %dma_start3A_127, %dma_start3A_128] : memref<1x256x256x256xf32, #tpu.memory_space<hbm>> -> memref<1x1x32x256xf32, #tpu.memory_space<hbm>>
    %dma_start3A_130 = tpu.memref_squeeze %dma_start3A_129 : memref<1x1x32x256xf32, #tpu.memory_space<hbm>> -> memref<32x256xf32, #tpu.memory_space<hbm>>
    %dma_start3A_131 = arith.constant 32 : i32
    %dma_start3A_132 = arith.constant 0 : i32
    %dma_start3A_133 = tpu.memref_slice %arg5[%dma_start3A_126, %add3A_125, %dma_start3A_131, %dma_start3A_132] : memref<1x256x256x256xf32, #tpu.memory_space<hbm>> -> memref<1x1x32x256xf32, #tpu.memory_space<hbm>>
    %dma_start3A_134 = tpu.memref_squeeze %dma_start3A_133 : memref<1x1x32x256xf32, #tpu.memory_space<hbm>> -> memref<32x256xf32, #tpu.memory_space<hbm>>
    tpu.enqueue_dma source(%arg14 : memref<32x256xf32, #tpu.memory_space<vmem>>) target(%dma_start3A_134 : memref<32x256xf32, #tpu.memory_space<hbm>>) target_semaphore(%arg24 : memref<!tpu.dma_semaphore, #tpu.memory_space<semaphore_mem>>)
    %add3A_135 = arith.constant 2 : i32
    %add3A_136 = arith.addi %mul3A_2, %add3A_135 : i32
    %dma_start3A_137 = arith.constant 0 : i32
    %dma_start3A_138 = arith.constant 32 : i32
    %dma_start3A_139 = arith.constant 0 : i32
    %dma_start3A_140 = tpu.memref_slice %arg5[%dma_start3A_137, %add3A_136, %dma_start3A_138, %dma_start3A_139] : memref<1x256x256x256xf32, #tpu.memory_space<hbm>> -> memref<1x1x32x256xf32, #tpu.memory_space<hbm>>
    %dma_start3A_141 = tpu.memref_squeeze %dma_start3A_140 : memref<1x1x32x256xf32, #tpu.memory_space<hbm>> -> memref<32x256xf32, #tpu.memory_space<hbm>>
    %dma_start3A_142 = arith.constant 32 : i32
    %dma_start3A_143 = arith.constant 0 : i32
    %dma_start3A_144 = tpu.memref_slice %arg5[%dma_start3A_137, %add3A_136, %dma_start3A_142, %dma_start3A_143] : memref<1x256x256x256xf32, #tpu.memory_space<hbm>> -> memref<1x1x32x256xf32, #tpu.memory_space<hbm>>
    %dma_start3A_145 = tpu.memref_squeeze %dma_start3A_144 : memref<1x1x32x256xf32, #tpu.memory_space<hbm>> -> memref<32x256xf32, #tpu.memory_space<hbm>>
    tpu.enqueue_dma source(%arg15 : memref<32x256xf32, #tpu.memory_space<vmem>>) target(%dma_start3A_145 : memref<32x256xf32, #tpu.memory_space<hbm>>) target_semaphore(%arg24 : memref<!tpu.dma_semaphore, #tpu.memory_space<semaphore_mem>>)
    %add3A_146 = arith.constant 3 : i32
    %add3A_147 = arith.addi %mul3A_2, %add3A_146 : i32
    %dma_start3A_148 = arith.constant 0 : i32
    %dma_start3A_149 = arith.constant 32 : i32
    %dma_start3A_150 = arith.constant 0 : i32
    %dma_start3A_151 = tpu.memref_slice %arg5[%dma_start3A_148, %add3A_147, %dma_start3A_149, %dma_start3A_150] : memref<1x256x256x256xf32, #tpu.memory_space<hbm>> -> memref<1x1x32x256xf32, #tpu.memory_space<hbm>>
    %dma_start3A_152 = tpu.memref_squeeze %dma_start3A_151 : memref<1x1x32x256xf32, #tpu.memory_space<hbm>> -> memref<32x256xf32, #tpu.memory_space<hbm>>
    %dma_start3A_153 = arith.constant 32 : i32
    %dma_start3A_154 = arith.constant 0 : i32
    %dma_start3A_155 = tpu.memref_slice %arg5[%dma_start3A_148, %add3A_147, %dma_start3A_153, %dma_start3A_154] : memref<1x256x256x256xf32, #tpu.memory_space<hbm>> -> memref<1x1x32x256xf32, #tpu.memory_space<hbm>>
    %dma_start3A_156 = tpu.memref_squeeze %dma_start3A_155 : memref<1x1x32x256xf32, #tpu.memory_space<hbm>> -> memref<32x256xf32, #tpu.memory_space<hbm>>
    tpu.enqueue_dma source(%arg16 : memref<32x256xf32, #tpu.memory_space<vmem>>) target(%dma_start3A_156 : memref<32x256xf32, #tpu.memory_space<hbm>>) target_semaphore(%arg24 : memref<!tpu.dma_semaphore, #tpu.memory_space<semaphore_mem>>)
    %add3A_157 = arith.constant 4 : i32
    %add3A_158 = arith.addi %mul3A_2, %add3A_157 : i32
    %dma_start3A_159 = arith.constant 0 : i32
    %dma_start3A_160 = arith.constant 32 : i32
    %dma_start3A_161 = arith.constant 0 : i32
    %dma_start3A_162 = tpu.memref_slice %arg5[%dma_start3A_159, %add3A_158, %dma_start3A_160, %dma_start3A_161] : memref<1x256x256x256xf32, #tpu.memory_space<hbm>> -> memref<1x1x32x256xf32, #tpu.memory_space<hbm>>
    %dma_start3A_163 = tpu.memref_squeeze %dma_start3A_162 : memref<1x1x32x256xf32, #tpu.memory_space<hbm>> -> memref<32x256xf32, #tpu.memory_space<hbm>>
    %dma_start3A_164 = arith.constant 32 : i32
    %dma_start3A_165 = arith.constant 0 : i32
    %dma_start3A_166 = tpu.memref_slice %arg5[%dma_start3A_159, %add3A_158, %dma_start3A_164, %dma_start3A_165] : memref<1x256x256x256xf32, #tpu.memory_space<hbm>> -> memref<1x1x32x256xf32, #tpu.memory_space<hbm>>
    %dma_start3A_167 = tpu.memref_squeeze %dma_start3A_166 : memref<1x1x32x256xf32, #tpu.memory_space<hbm>> -> memref<32x256xf32, #tpu.memory_space<hbm>>
    tpu.enqueue_dma source(%arg17 : memref<32x256xf32, #tpu.memory_space<vmem>>) target(%dma_start3A_167 : memref<32x256xf32, #tpu.memory_space<hbm>>) target_semaphore(%arg24 : memref<!tpu.dma_semaphore, #tpu.memory_space<semaphore_mem>>)
    %add3A_168 = arith.constant 5 : i32
    %add3A_169 = arith.addi %mul3A_2, %add3A_168 : i32
    %dma_start3A_170 = arith.constant 0 : i32
    %dma_start3A_171 = arith.constant 32 : i32
    %dma_start3A_172 = arith.constant 0 : i32
    %dma_start3A_173 = tpu.memref_slice %arg5[%dma_start3A_170, %add3A_169, %dma_start3A_171, %dma_start3A_172] : memref<1x256x256x256xf32, #tpu.memory_space<hbm>> -> memref<1x1x32x256xf32, #tpu.memory_space<hbm>>
    %dma_start3A_174 = tpu.memref_squeeze %dma_start3A_173 : memref<1x1x32x256xf32, #tpu.memory_space<hbm>> -> memref<32x256xf32, #tpu.memory_space<hbm>>
    %dma_start3A_175 = arith.constant 32 : i32
    %dma_start3A_176 = arith.constant 0 : i32
    %dma_start3A_177 = tpu.memref_slice %arg5[%dma_start3A_170, %add3A_169, %dma_start3A_175, %dma_start3A_176] : memref<1x256x256x256xf32, #tpu.memory_space<hbm>> -> memref<1x1x32x256xf32, #tpu.memory_space<hbm>>
    %dma_start3A_178 = tpu.memref_squeeze %dma_start3A_177 : memref<1x1x32x256xf32, #tpu.memory_space<hbm>> -> memref<32x256xf32, #tpu.memory_space<hbm>>
    tpu.enqueue_dma source(%arg18 : memref<32x256xf32, #tpu.memory_space<vmem>>) target(%dma_start3A_178 : memref<32x256xf32, #tpu.memory_space<hbm>>) target_semaphore(%arg24 : memref<!tpu.dma_semaphore, #tpu.memory_space<semaphore_mem>>)
    %add3A_179 = arith.constant 6 : i32
    %add3A_180 = arith.addi %mul3A_2, %add3A_179 : i32
    %dma_start3A_181 = arith.constant 0 : i32
    %dma_start3A_182 = arith.constant 32 : i32
    %dma_start3A_183 = arith.constant 0 : i32
    %dma_start3A_184 = tpu.memref_slice %arg5[%dma_start3A_181, %add3A_180, %dma_start3A_182, %dma_start3A_183] : memref<1x256x256x256xf32, #tpu.memory_space<hbm>> -> memref<1x1x32x256xf32, #tpu.memory_space<hbm>>
    %dma_start3A_185 = tpu.memref_squeeze %dma_start3A_184 : memref<1x1x32x256xf32, #tpu.memory_space<hbm>> -> memref<32x256xf32, #tpu.memory_space<hbm>>
    %dma_start3A_186 = arith.constant 32 : i32
    %dma_start3A_187 = arith.constant 0 : i32
    %dma_start3A_188 = tpu.memref_slice %arg5[%dma_start3A_181, %add3A_180, %dma_start3A_186, %dma_start3A_187] : memref<1x256x256x256xf32, #tpu.memory_space<hbm>> -> memref<1x1x32x256xf32, #tpu.memory_space<hbm>>
    %dma_start3A_189 = tpu.memref_squeeze %dma_start3A_188 : memref<1x1x32x256xf32, #tpu.memory_space<hbm>> -> memref<32x256xf32, #tpu.memory_space<hbm>>
    tpu.enqueue_dma source(%arg19 : memref<32x256xf32, #tpu.memory_space<vmem>>) target(%dma_start3A_189 : memref<32x256xf32, #tpu.memory_space<hbm>>) target_semaphore(%arg24 : memref<!tpu.dma_semaphore, #tpu.memory_space<semaphore_mem>>)
    %add3A_190 = arith.constant 7 : i32
    %add3A_191 = arith.addi %mul3A_2, %add3A_190 : i32
    %dma_start3A_192 = arith.constant 0 : i32
    %dma_start3A_193 = arith.constant 32 : i32
    %dma_start3A_194 = arith.constant 0 : i32
    %dma_start3A_195 = tpu.memref_slice %arg5[%dma_start3A_192, %add3A_191, %dma_start3A_193, %dma_start3A_194] : memref<1x256x256x256xf32, #tpu.memory_space<hbm>> -> memref<1x1x32x256xf32, #tpu.memory_space<hbm>>
    %dma_start3A_196 = tpu.memref_squeeze %dma_start3A_195 : memref<1x1x32x256xf32, #tpu.memory_space<hbm>> -> memref<32x256xf32, #tpu.memory_space<hbm>>
    %dma_start3A_197 = arith.constant 32 : i32
    %dma_start3A_198 = arith.constant 0 : i32
    %dma_start3A_199 = tpu.memref_slice %arg5[%dma_start3A_192, %add3A_191, %dma_start3A_197, %dma_start3A_198] : memref<1x256x256x256xf32, #tpu.memory_space<hbm>> -> memref<1x1x32x256xf32, #tpu.memory_space<hbm>>
    %dma_start3A_200 = tpu.memref_squeeze %dma_start3A_199 : memref<1x1x32x256xf32, #tpu.memory_space<hbm>> -> memref<32x256xf32, #tpu.memory_space<hbm>>
    tpu.enqueue_dma source(%arg20 : memref<32x256xf32, #tpu.memory_space<vmem>>) target(%dma_start3A_200 : memref<32x256xf32, #tpu.memory_space<hbm>>) target_semaphore(%arg24 : memref<!tpu.dma_semaphore, #tpu.memory_space<semaphore_mem>>)
    %scan3A = arith.constant 0 : i32
    %scan3A_201 = arith.constant 1 : i32
    %scan3A_202 = arith.constant 2 : i32
    %scan3A_203 = arith.addi %scan3A_201, %scan3A_202 : i32
    %scan3A_204 = arith.constant 1 : i32
    scf.for %scan3A_733 = %scan3A_201 to %scan3A_203 step %scan3A_204  : i32 {
      %mul3A_734 = arith.constant 2 : i32
      %mul3A_735 = arith.muli %mul3A_734, %scan3A_733 : i32
      %add3A_736 = arith.constant 1 : i32
      %add3A_737 = arith.addi %mul3A_735, %add3A_736 : i32
      %add3A_738 = arith.constant 0 : i32
      %add3A_739 = arith.addi %mul3A_2, %add3A_738 : i32
      %mul3A_740 = arith.constant 32 : i32
      %mul3A_741 = arith.muli %mul3A_735, %mul3A_740 : i32
      %dma_wait3A_742 = arith.constant 0 : i32
      %dma_wait3A_743 = arith.constant 0 : i32
      %dma_wait3A_744 = tpu.memref_slice %arg5[%dma_wait3A_742, %add3A_739, %mul3A_741, %dma_wait3A_743] : memref<1x256x256x256xf32, #tpu.memory_space<hbm>> -> memref<1x1x32x256xf32, #tpu.memory_space<hbm>>
      %dma_wait3A_745 = tpu.memref_squeeze %dma_wait3A_744 : memref<1x1x32x256xf32, #tpu.memory_space<hbm>> -> memref<32x256xf32, #tpu.memory_space<hbm>>
      %dma_wait3A_746 = arith.constant 0 : i32
      %dma_wait3A_747 = tpu.memref_slice %arg5[%dma_wait3A_742, %add3A_739, %mul3A_741, %dma_wait3A_746] : memref<1x256x256x256xf32, #tpu.memory_space<hbm>> -> memref<1x1x32x256xf32, #tpu.memory_space<hbm>>
      %dma_wait3A_748 = tpu.memref_squeeze %dma_wait3A_747 : memref<1x1x32x256xf32, #tpu.memory_space<hbm>> -> memref<32x256xf32, #tpu.memory_space<hbm>>
      tpu.wait_dma2 semaphore(%arg23 : memref<!tpu.dma_semaphore, #tpu.memory_space<semaphore_mem>>) src(%arg13 : memref<32x256xf32, #tpu.memory_space<vmem>>) dst(%dma_wait3A_748 : memref<32x256xf32, #tpu.memory_space<hbm>>)
      %add3A_749 = arith.constant 1 : i32
      %add3A_750 = arith.addi %mul3A_2, %add3A_749 : i32
      %mul3A_751 = arith.constant 32 : i32
      %mul3A_752 = arith.muli %mul3A_735, %mul3A_751 : i32
      %dma_wait3A_753 = arith.constant 0 : i32
      %dma_wait3A_754 = arith.constant 0 : i32
      %dma_wait3A_755 = tpu.memref_slice %arg5[%dma_wait3A_753, %add3A_750, %mul3A_752, %dma_wait3A_754] : memref<1x256x256x256xf32, #tpu.memory_space<hbm>> -> memref<1x1x32x256xf32, #tpu.memory_space<hbm>>
      %dma_wait3A_756 = tpu.memref_squeeze %dma_wait3A_755 : memref<1x1x32x256xf32, #tpu.memory_space<hbm>> -> memref<32x256xf32, #tpu.memory_space<hbm>>
      %dma_wait3A_757 = arith.constant 0 : i32
      %dma_wait3A_758 = tpu.memref_slice %arg5[%dma_wait3A_753, %add3A_750, %mul3A_752, %dma_wait3A_757] : memref<1x256x256x256xf32, #tpu.memory_space<hbm>> -> memref<1x1x32x256xf32, #tpu.memory_space<hbm>>
      %dma_wait3A_759 = tpu.memref_squeeze %dma_wait3A_758 : memref<1x1x32x256xf32, #tpu.memory_space<hbm>> -> memref<32x256xf32, #tpu.memory_space<hbm>>
      tpu.wait_dma2 semaphore(%arg23 : memref<!tpu.dma_semaphore, #tpu.memory_space<semaphore_mem>>) src(%arg14 : memref<32x256xf32, #tpu.memory_space<vmem>>) dst(%dma_wait3A_759 : memref<32x256xf32, #tpu.memory_space<hbm>>)
      %add3A_760 = arith.constant 2 : i32
      %add3A_761 = arith.addi %mul3A_2, %add3A_760 : i32
      %mul3A_762 = arith.constant 32 : i32
      %mul3A_763 = arith.muli %mul3A_735, %mul3A_762 : i32
      %dma_wait3A_764 = arith.constant 0 : i32
      %dma_wait3A_765 = arith.constant 0 : i32
      %dma_wait3A_766 = tpu.memref_slice %arg5[%dma_wait3A_764, %add3A_761, %mul3A_763, %dma_wait3A_765] : memref<1x256x256x256xf32, #tpu.memory_space<hbm>> -> memref<1x1x32x256xf32, #tpu.memory_space<hbm>>
      %dma_wait3A_767 = tpu.memref_squeeze %dma_wait3A_766 : memref<1x1x32x256xf32, #tpu.memory_space<hbm>> -> memref<32x256xf32, #tpu.memory_space<hbm>>
      %dma_wait3A_768 = arith.constant 0 : i32
      %dma_wait3A_769 = tpu.memref_slice %arg5[%dma_wait3A_764, %add3A_761, %mul3A_763, %dma_wait3A_768] : memref<1x256x256x256xf32, #tpu.memory_space<hbm>> -> memref<1x1x32x256xf32, #tpu.memory_space<hbm>>
      %dma_wait3A_770 = tpu.memref_squeeze %dma_wait3A_769 : memref<1x1x32x256xf32, #tpu.memory_space<hbm>> -> memref<32x256xf32, #tpu.memory_space<hbm>>
      tpu.wait_dma2 semaphore(%arg23 : memref<!tpu.dma_semaphore, #tpu.memory_space<semaphore_mem>>) src(%arg15 : memref<32x256xf32, #tpu.memory_space<vmem>>) dst(%dma_wait3A_770 : memref<32x256xf32, #tpu.memory_space<hbm>>)
      %add3A_771 = arith.constant 3 : i32
      %add3A_772 = arith.addi %mul3A_2, %add3A_771 : i32
      %mul3A_773 = arith.constant 32 : i32
      %mul3A_774 = arith.muli %mul3A_735, %mul3A_773 : i32
      %dma_wait3A_775 = arith.constant 0 : i32
      %dma_wait3A_776 = arith.constant 0 : i32
      %dma_wait3A_777 = tpu.memref_slice %arg5[%dma_wait3A_775, %add3A_772, %mul3A_774, %dma_wait3A_776] : memref<1x256x256x256xf32, #tpu.memory_space<hbm>> -> memref<1x1x32x256xf32, #tpu.memory_space<hbm>>
      %dma_wait3A_778 = tpu.memref_squeeze %dma_wait3A_777 : memref<1x1x32x256xf32, #tpu.memory_space<hbm>> -> memref<32x256xf32, #tpu.memory_space<hbm>>
      %dma_wait3A_779 = arith.constant 0 : i32
      %dma_wait3A_780 = tpu.memref_slice %arg5[%dma_wait3A_775, %add3A_772, %mul3A_774, %dma_wait3A_779] : memref<1x256x256x256xf32, #tpu.memory_space<hbm>> -> memref<1x1x32x256xf32, #tpu.memory_space<hbm>>
      %dma_wait3A_781 = tpu.memref_squeeze %dma_wait3A_780 : memref<1x1x32x256xf32, #tpu.memory_space<hbm>> -> memref<32x256xf32, #tpu.memory_space<hbm>>
      tpu.wait_dma2 semaphore(%arg23 : memref<!tpu.dma_semaphore, #tpu.memory_space<semaphore_mem>>) src(%arg16 : memref<32x256xf32, #tpu.memory_space<vmem>>) dst(%dma_wait3A_781 : memref<32x256xf32, #tpu.memory_space<hbm>>)
      %add3A_782 = arith.constant 4 : i32
      %add3A_783 = arith.addi %mul3A_2, %add3A_782 : i32
      %mul3A_784 = arith.constant 32 : i32
      %mul3A_785 = arith.muli %mul3A_735, %mul3A_784 : i32
      %dma_wait3A_786 = arith.constant 0 : i32
      %dma_wait3A_787 = arith.constant 0 : i32
      %dma_wait3A_788 = tpu.memref_slice %arg5[%dma_wait3A_786, %add3A_783, %mul3A_785, %dma_wait3A_787] : memref<1x256x256x256xf32, #tpu.memory_space<hbm>> -> memref<1x1x32x256xf32, #tpu.memory_space<hbm>>
      %dma_wait3A_789 = tpu.memref_squeeze %dma_wait3A_788 : memref<1x1x32x256xf32, #tpu.memory_space<hbm>> -> memref<32x256xf32, #tpu.memory_space<hbm>>
      %dma_wait3A_790 = arith.constant 0 : i32
      %dma_wait3A_791 = tpu.memref_slice %arg5[%dma_wait3A_786, %add3A_783, %mul3A_785, %dma_wait3A_790] : memref<1x256x256x256xf32, #tpu.memory_space<hbm>> -> memref<1x1x32x256xf32, #tpu.memory_space<hbm>>
      %dma_wait3A_792 = tpu.memref_squeeze %dma_wait3A_791 : memref<1x1x32x256xf32, #tpu.memory_space<hbm>> -> memref<32x256xf32, #tpu.memory_space<hbm>>
      tpu.wait_dma2 semaphore(%arg23 : memref<!tpu.dma_semaphore, #tpu.memory_space<semaphore_mem>>) src(%arg17 : memref<32x256xf32, #tpu.memory_space<vmem>>) dst(%dma_wait3A_792 : memref<32x256xf32, #tpu.memory_space<hbm>>)
      %add3A_793 = arith.constant 5 : i32
      %add3A_794 = arith.addi %mul3A_2, %add3A_793 : i32
      %mul3A_795 = arith.constant 32 : i32
      %mul3A_796 = arith.muli %mul3A_735, %mul3A_795 : i32
      %dma_wait3A_797 = arith.constant 0 : i32
      %dma_wait3A_798 = arith.constant 0 : i32
      %dma_wait3A_799 = tpu.memref_slice %arg5[%dma_wait3A_797, %add3A_794, %mul3A_796, %dma_wait3A_798] : memref<1x256x256x256xf32, #tpu.memory_space<hbm>> -> memref<1x1x32x256xf32, #tpu.memory_space<hbm>>
      %dma_wait3A_800 = tpu.memref_squeeze %dma_wait3A_799 : memref<1x1x32x256xf32, #tpu.memory_space<hbm>> -> memref<32x256xf32, #tpu.memory_space<hbm>>
      %dma_wait3A_801 = arith.constant 0 : i32
      %dma_wait3A_802 = tpu.memref_slice %arg5[%dma_wait3A_797, %add3A_794, %mul3A_796, %dma_wait3A_801] : memref<1x256x256x256xf32, #tpu.memory_space<hbm>> -> memref<1x1x32x256xf32, #tpu.memory_space<hbm>>
      %dma_wait3A_803 = tpu.memref_squeeze %dma_wait3A_802 : memref<1x1x32x256xf32, #tpu.memory_space<hbm>> -> memref<32x256xf32, #tpu.memory_space<hbm>>
      tpu.wait_dma2 semaphore(%arg23 : memref<!tpu.dma_semaphore, #tpu.memory_space<semaphore_mem>>) src(%arg18 : memref<32x256xf32, #tpu.memory_space<vmem>>) dst(%dma_wait3A_803 : memref<32x256xf32, #tpu.memory_space<hbm>>)
      %add3A_804 = arith.constant 6 : i32
      %add3A_805 = arith.addi %mul3A_2, %add3A_804 : i32
      %mul3A_806 = arith.constant 32 : i32
      %mul3A_807 = arith.muli %mul3A_735, %mul3A_806 : i32
      %dma_wait3A_808 = arith.constant 0 : i32
      %dma_wait3A_809 = arith.constant 0 : i32
      %dma_wait3A_810 = tpu.memref_slice %arg5[%dma_wait3A_808, %add3A_805, %mul3A_807, %dma_wait3A_809] : memref<1x256x256x256xf32, #tpu.memory_space<hbm>> -> memref<1x1x32x256xf32, #tpu.memory_space<hbm>>
      %dma_wait3A_811 = tpu.memref_squeeze %dma_wait3A_810 : memref<1x1x32x256xf32, #tpu.memory_space<hbm>> -> memref<32x256xf32, #tpu.memory_space<hbm>>
      %dma_wait3A_812 = arith.constant 0 : i32
      %dma_wait3A_813 = tpu.memref_slice %arg5[%dma_wait3A_808, %add3A_805, %mul3A_807, %dma_wait3A_812] : memref<1x256x256x256xf32, #tpu.memory_space<hbm>> -> memref<1x1x32x256xf32, #tpu.memory_space<hbm>>
      %dma_wait3A_814 = tpu.memref_squeeze %dma_wait3A_813 : memref<1x1x32x256xf32, #tpu.memory_space<hbm>> -> memref<32x256xf32, #tpu.memory_space<hbm>>
      tpu.wait_dma2 semaphore(%arg23 : memref<!tpu.dma_semaphore, #tpu.memory_space<semaphore_mem>>) src(%arg19 : memref<32x256xf32, #tpu.memory_space<vmem>>) dst(%dma_wait3A_814 : memref<32x256xf32, #tpu.memory_space<hbm>>)
      %add3A_815 = arith.constant 7 : i32
      %add3A_816 = arith.addi %mul3A_2, %add3A_815 : i32
      %mul3A_817 = arith.constant 32 : i32
      %mul3A_818 = arith.muli %mul3A_735, %mul3A_817 : i32
      %dma_wait3A_819 = arith.constant 0 : i32
      %dma_wait3A_820 = arith.constant 0 : i32
      %dma_wait3A_821 = tpu.memref_slice %arg5[%dma_wait3A_819, %add3A_816, %mul3A_818, %dma_wait3A_820] : memref<1x256x256x256xf32, #tpu.memory_space<hbm>> -> memref<1x1x32x256xf32, #tpu.memory_space<hbm>>
      %dma_wait3A_822 = tpu.memref_squeeze %dma_wait3A_821 : memref<1x1x32x256xf32, #tpu.memory_space<hbm>> -> memref<32x256xf32, #tpu.memory_space<hbm>>
      %dma_wait3A_823 = arith.constant 0 : i32
      %dma_wait3A_824 = tpu.memref_slice %arg5[%dma_wait3A_819, %add3A_816, %mul3A_818, %dma_wait3A_823] : memref<1x256x256x256xf32, #tpu.memory_space<hbm>> -> memref<1x1x32x256xf32, #tpu.memory_space<hbm>>
      %dma_wait3A_825 = tpu.memref_squeeze %dma_wait3A_824 : memref<1x1x32x256xf32, #tpu.memory_space<hbm>> -> memref<32x256xf32, #tpu.memory_space<hbm>>
      tpu.wait_dma2 semaphore(%arg23 : memref<!tpu.dma_semaphore, #tpu.memory_space<semaphore_mem>>) src(%arg20 : memref<32x256xf32, #tpu.memory_space<vmem>>) dst(%dma_wait3A_825 : memref<32x256xf32, #tpu.memory_space<hbm>>)
      %mul3A_826 = arith.constant 32 : i32
      %mul3A_827 = arith.muli %mul3A_735, %mul3A_826 : i32
      %add3A_828 = arith.constant 0 : i32
      %add3A_829 = arith.addi %mul3A_2, %add3A_828 : i32
      %mul3A_830 = arith.constant 32 : i32
      %mul3A_831 = arith.muli %mul3A_735, %mul3A_830 : i32
      %dma_start3A_832 = arith.constant 0 : i32
      %dma_start3A_833 = arith.constant 0 : i32
      %dma_start3A_834 = tpu.memref_slice %arg5[%dma_start3A_832, %add3A_829, %mul3A_831, %dma_start3A_833] : memref<1x256x256x256xf32, #tpu.memory_space<hbm>> -> memref<1x1x32x256xf32, #tpu.memory_space<hbm>>
      %dma_start3A_835 = tpu.memref_squeeze %dma_start3A_834 : memref<1x1x32x256xf32, #tpu.memory_space<hbm>> -> memref<32x256xf32, #tpu.memory_space<hbm>>
      %dma_start3A_836 = arith.constant 0 : i32
      %dma_start3A_837 = tpu.memref_slice %arg5[%dma_start3A_832, %add3A_829, %mul3A_831, %dma_start3A_836] : memref<1x256x256x256xf32, #tpu.memory_space<hbm>> -> memref<1x1x32x256xf32, #tpu.memory_space<hbm>>
      %dma_start3A_838 = tpu.memref_squeeze %dma_start3A_837 : memref<1x1x32x256xf32, #tpu.memory_space<hbm>> -> memref<32x256xf32, #tpu.memory_space<hbm>>
      tpu.enqueue_dma source(%arg13 : memref<32x256xf32, #tpu.memory_space<vmem>>) target(%dma_start3A_838 : memref<32x256xf32, #tpu.memory_space<hbm>>) target_semaphore(%arg23 : memref<!tpu.dma_semaphore, #tpu.memory_space<semaphore_mem>>)
      %add3A_839 = arith.constant 1 : i32
      %add3A_840 = arith.addi %mul3A_2, %add3A_839 : i32
      %mul3A_841 = arith.constant 32 : i32
      %mul3A_842 = arith.muli %mul3A_735, %mul3A_841 : i32
      %dma_start3A_843 = arith.constant 0 : i32
      %dma_start3A_844 = arith.constant 0 : i32
      %dma_start3A_845 = tpu.memref_slice %arg5[%dma_start3A_843, %add3A_840, %mul3A_842, %dma_start3A_844] : memref<1x256x256x256xf32, #tpu.memory_space<hbm>> -> memref<1x1x32x256xf32, #tpu.memory_space<hbm>>
      %dma_start3A_846 = tpu.memref_squeeze %dma_start3A_845 : memref<1x1x32x256xf32, #tpu.memory_space<hbm>> -> memref<32x256xf32, #tpu.memory_space<hbm>>
      %dma_start3A_847 = arith.constant 0 : i32
      %dma_start3A_848 = tpu.memref_slice %arg5[%dma_start3A_843, %add3A_840, %mul3A_842, %dma_start3A_847] : memref<1x256x256x256xf32, #tpu.memory_space<hbm>> -> memref<1x1x32x256xf32, #tpu.memory_space<hbm>>
      %dma_start3A_849 = tpu.memref_squeeze %dma_start3A_848 : memref<1x1x32x256xf32, #tpu.memory_space<hbm>> -> memref<32x256xf32, #tpu.memory_space<hbm>>
      tpu.enqueue_dma source(%arg14 : memref<32x256xf32, #tpu.memory_space<vmem>>) target(%dma_start3A_849 : memref<32x256xf32, #tpu.memory_space<hbm>>) target_semaphore(%arg23 : memref<!tpu.dma_semaphore, #tpu.memory_space<semaphore_mem>>)
      %add3A_850 = arith.constant 2 : i32
      %add3A_851 = arith.addi %mul3A_2, %add3A_850 : i32
      %mul3A_852 = arith.constant 32 : i32
      %mul3A_853 = arith.muli %mul3A_735, %mul3A_852 : i32
      %dma_start3A_854 = arith.constant 0 : i32
      %dma_start3A_855 = arith.constant 0 : i32
      %dma_start3A_856 = tpu.memref_slice %arg5[%dma_start3A_854, %add3A_851, %mul3A_853, %dma_start3A_855] : memref<1x256x256x256xf32, #tpu.memory_space<hbm>> -> memref<1x1x32x256xf32, #tpu.memory_space<hbm>>
      %dma_start3A_857 = tpu.memref_squeeze %dma_start3A_856 : memref<1x1x32x256xf32, #tpu.memory_space<hbm>> -> memref<32x256xf32, #tpu.memory_space<hbm>>
      %dma_start3A_858 = arith.constant 0 : i32
      %dma_start3A_859 = tpu.memref_slice %arg5[%dma_start3A_854, %add3A_851, %mul3A_853, %dma_start3A_858] : memref<1x256x256x256xf32, #tpu.memory_space<hbm>> -> memref<1x1x32x256xf32, #tpu.memory_space<hbm>>
      %dma_start3A_860 = tpu.memref_squeeze %dma_start3A_859 : memref<1x1x32x256xf32, #tpu.memory_space<hbm>> -> memref<32x256xf32, #tpu.memory_space<hbm>>
      tpu.enqueue_dma source(%arg15 : memref<32x256xf32, #tpu.memory_space<vmem>>) target(%dma_start3A_860 : memref<32x256xf32, #tpu.memory_space<hbm>>) target_semaphore(%arg23 : memref<!tpu.dma_semaphore, #tpu.memory_space<semaphore_mem>>)
      %add3A_861 = arith.constant 3 : i32
      %add3A_862 = arith.addi %mul3A_2, %add3A_861 : i32
      %mul3A_863 = arith.constant 32 : i32
      %mul3A_864 = arith.muli %mul3A_735, %mul3A_863 : i32
      %dma_start3A_865 = arith.constant 0 : i32
      %dma_start3A_866 = arith.constant 0 : i32
      %dma_start3A_867 = tpu.memref_slice %arg5[%dma_start3A_865, %add3A_862, %mul3A_864, %dma_start3A_866] : memref<1x256x256x256xf32, #tpu.memory_space<hbm>> -> memref<1x1x32x256xf32, #tpu.memory_space<hbm>>
      %dma_start3A_868 = tpu.memref_squeeze %dma_start3A_867 : memref<1x1x32x256xf32, #tpu.memory_space<hbm>> -> memref<32x256xf32, #tpu.memory_space<hbm>>
      %dma_start3A_869 = arith.constant 0 : i32
      %dma_start3A_870 = tpu.memref_slice %arg5[%dma_start3A_865, %add3A_862, %mul3A_864, %dma_start3A_869] : memref<1x256x256x256xf32, #tpu.memory_space<hbm>> -> memref<1x1x32x256xf32, #tpu.memory_space<hbm>>
      %dma_start3A_871 = tpu.memref_squeeze %dma_start3A_870 : memref<1x1x32x256xf32, #tpu.memory_space<hbm>> -> memref<32x256xf32, #tpu.memory_space<hbm>>
      tpu.enqueue_dma source(%arg16 : memref<32x256xf32, #tpu.memory_space<vmem>>) target(%dma_start3A_871 : memref<32x256xf32, #tpu.memory_space<hbm>>) target_semaphore(%arg23 : memref<!tpu.dma_semaphore, #tpu.memory_space<semaphore_mem>>)
      %add3A_872 = arith.constant 4 : i32
      %add3A_873 = arith.addi %mul3A_2, %add3A_872 : i32
      %mul3A_874 = arith.constant 32 : i32
      %mul3A_875 = arith.muli %mul3A_735, %mul3A_874 : i32
      %dma_start3A_876 = arith.constant 0 : i32
      %dma_start3A_877 = arith.constant 0 : i32
      %dma_start3A_878 = tpu.memref_slice %arg5[%dma_start3A_876, %add3A_873, %mul3A_875, %dma_start3A_877] : memref<1x256x256x256xf32, #tpu.memory_space<hbm>> -> memref<1x1x32x256xf32, #tpu.memory_space<hbm>>
      %dma_start3A_879 = tpu.memref_squeeze %dma_start3A_878 : memref<1x1x32x256xf32, #tpu.memory_space<hbm>> -> memref<32x256xf32, #tpu.memory_space<hbm>>
      %dma_start3A_880 = arith.constant 0 : i32
      %dma_start3A_881 = tpu.memref_slice %arg5[%dma_start3A_876, %add3A_873, %mul3A_875, %dma_start3A_880] : memref<1x256x256x256xf32, #tpu.memory_space<hbm>> -> memref<1x1x32x256xf32, #tpu.memory_space<hbm>>
      %dma_start3A_882 = tpu.memref_squeeze %dma_start3A_881 : memref<1x1x32x256xf32, #tpu.memory_space<hbm>> -> memref<32x256xf32, #tpu.memory_space<hbm>>
      tpu.enqueue_dma source(%arg17 : memref<32x256xf32, #tpu.memory_space<vmem>>) target(%dma_start3A_882 : memref<32x256xf32, #tpu.memory_space<hbm>>) target_semaphore(%arg23 : memref<!tpu.dma_semaphore, #tpu.memory_space<semaphore_mem>>)
      %add3A_883 = arith.constant 5 : i32
      %add3A_884 = arith.addi %mul3A_2, %add3A_883 : i32
      %mul3A_885 = arith.constant 32 : i32
      %mul3A_886 = arith.muli %mul3A_735, %mul3A_885 : i32
      %dma_start3A_887 = arith.constant 0 : i32
      %dma_start3A_888 = arith.constant 0 : i32
      %dma_start3A_889 = tpu.memref_slice %arg5[%dma_start3A_887, %add3A_884, %mul3A_886, %dma_start3A_888] : memref<1x256x256x256xf32, #tpu.memory_space<hbm>> -> memref<1x1x32x256xf32, #tpu.memory_space<hbm>>
      %dma_start3A_890 = tpu.memref_squeeze %dma_start3A_889 : memref<1x1x32x256xf32, #tpu.memory_space<hbm>> -> memref<32x256xf32, #tpu.memory_space<hbm>>
      %dma_start3A_891 = arith.constant 0 : i32
      %dma_start3A_892 = tpu.memref_slice %arg5[%dma_start3A_887, %add3A_884, %mul3A_886, %dma_start3A_891] : memref<1x256x256x256xf32, #tpu.memory_space<hbm>> -> memref<1x1x32x256xf32, #tpu.memory_space<hbm>>
      %dma_start3A_893 = tpu.memref_squeeze %dma_start3A_892 : memref<1x1x32x256xf32, #tpu.memory_space<hbm>> -> memref<32x256xf32, #tpu.memory_space<hbm>>
      tpu.enqueue_dma source(%arg18 : memref<32x256xf32, #tpu.memory_space<vmem>>) target(%dma_start3A_893 : memref<32x256xf32, #tpu.memory_space<hbm>>) target_semaphore(%arg23 : memref<!tpu.dma_semaphore, #tpu.memory_space<semaphore_mem>>)
      %add3A_894 = arith.constant 6 : i32
      %add3A_895 = arith.addi %mul3A_2, %add3A_894 : i32
      %mul3A_896 = arith.constant 32 : i32
      %mul3A_897 = arith.muli %mul3A_735, %mul3A_896 : i32
      %dma_start3A_898 = arith.constant 0 : i32
      %dma_start3A_899 = arith.constant 0 : i32
      %dma_start3A_900 = tpu.memref_slice %arg5[%dma_start3A_898, %add3A_895, %mul3A_897, %dma_start3A_899] : memref<1x256x256x256xf32, #tpu.memory_space<hbm>> -> memref<1x1x32x256xf32, #tpu.memory_space<hbm>>
      %dma_start3A_901 = tpu.memref_squeeze %dma_start3A_900 : memref<1x1x32x256xf32, #tpu.memory_space<hbm>> -> memref<32x256xf32, #tpu.memory_space<hbm>>
      %dma_start3A_902 = arith.constant 0 : i32
      %dma_start3A_903 = tpu.memref_slice %arg5[%dma_start3A_898, %add3A_895, %mul3A_897, %dma_start3A_902] : memref<1x256x256x256xf32, #tpu.memory_space<hbm>> -> memref<1x1x32x256xf32, #tpu.memory_space<hbm>>
      %dma_start3A_904 = tpu.memref_squeeze %dma_start3A_903 : memref<1x1x32x256xf32, #tpu.memory_space<hbm>> -> memref<32x256xf32, #tpu.memory_space<hbm>>
      tpu.enqueue_dma source(%arg19 : memref<32x256xf32, #tpu.memory_space<vmem>>) target(%dma_start3A_904 : memref<32x256xf32, #tpu.memory_space<hbm>>) target_semaphore(%arg23 : memref<!tpu.dma_semaphore, #tpu.memory_space<semaphore_mem>>)
      %add3A_905 = arith.constant 7 : i32
      %add3A_906 = arith.addi %mul3A_2, %add3A_905 : i32
      %mul3A_907 = arith.constant 32 : i32
      %mul3A_908 = arith.muli %mul3A_735, %mul3A_907 : i32
      %dma_start3A_909 = arith.constant 0 : i32
      %dma_start3A_910 = arith.constant 0 : i32
      %dma_start3A_911 = tpu.memref_slice %arg5[%dma_start3A_909, %add3A_906, %mul3A_908, %dma_start3A_910] : memref<1x256x256x256xf32, #tpu.memory_space<hbm>> -> memref<1x1x32x256xf32, #tpu.memory_space<hbm>>
      %dma_start3A_912 = tpu.memref_squeeze %dma_start3A_911 : memref<1x1x32x256xf32, #tpu.memory_space<hbm>> -> memref<32x256xf32, #tpu.memory_space<hbm>>
      %dma_start3A_913 = arith.constant 0 : i32
      %dma_start3A_914 = tpu.memref_slice %arg5[%dma_start3A_909, %add3A_906, %mul3A_908, %dma_start3A_913] : memref<1x256x256x256xf32, #tpu.memory_space<hbm>> -> memref<1x1x32x256xf32, #tpu.memory_space<hbm>>
      %dma_start3A_915 = tpu.memref_squeeze %dma_start3A_914 : memref<1x1x32x256xf32, #tpu.memory_space<hbm>> -> memref<32x256xf32, #tpu.memory_space<hbm>>
      tpu.enqueue_dma source(%arg20 : memref<32x256xf32, #tpu.memory_space<vmem>>) target(%dma_start3A_915 : memref<32x256xf32, #tpu.memory_space<hbm>>) target_semaphore(%arg23 : memref<!tpu.dma_semaphore, #tpu.memory_space<semaphore_mem>>)
      %add3A_916 = arith.constant 1 : i32
      %add3A_917 = arith.addi %mul3A_735, %add3A_916 : i32
      %add3A_918 = arith.constant 2 : i32
      %add3A_919 = arith.addi %mul3A_735, %add3A_918 : i32
      %add3A_920 = arith.constant 0 : i32
      %add3A_921 = arith.addi %mul3A_2, %add3A_920 : i32
      %mul3A_922 = arith.constant 32 : i32
      %mul3A_923 = arith.muli %add3A_917, %mul3A_922 : i32
      %dma_wait3A_924 = arith.constant 0 : i32
      %dma_wait3A_925 = arith.constant 0 : i32
      %dma_wait3A_926 = tpu.memref_slice %arg5[%dma_wait3A_924, %add3A_921, %mul3A_923, %dma_wait3A_925] : memref<1x256x256x256xf32, #tpu.memory_space<hbm>> -> memref<1x1x32x256xf32, #tpu.memory_space<hbm>>
      %dma_wait3A_927 = tpu.memref_squeeze %dma_wait3A_926 : memref<1x1x32x256xf32, #tpu.memory_space<hbm>> -> memref<32x256xf32, #tpu.memory_space<hbm>>
      %dma_wait3A_928 = arith.constant 0 : i32
      %dma_wait3A_929 = tpu.memref_slice %arg5[%dma_wait3A_924, %add3A_921, %mul3A_923, %dma_wait3A_928] : memref<1x256x256x256xf32, #tpu.memory_space<hbm>> -> memref<1x1x32x256xf32, #tpu.memory_space<hbm>>
      %dma_wait3A_930 = tpu.memref_squeeze %dma_wait3A_929 : memref<1x1x32x256xf32, #tpu.memory_space<hbm>> -> memref<32x256xf32, #tpu.memory_space<hbm>>
      tpu.wait_dma2 semaphore(%arg24 : memref<!tpu.dma_semaphore, #tpu.memory_space<semaphore_mem>>) src(%arg13 : memref<32x256xf32, #tpu.memory_space<vmem>>) dst(%dma_wait3A_930 : memref<32x256xf32, #tpu.memory_space<hbm>>)
      %add3A_931 = arith.constant 1 : i32
      %add3A_932 = arith.addi %mul3A_2, %add3A_931 : i32
      %mul3A_933 = arith.constant 32 : i32
      %mul3A_934 = arith.muli %add3A_917, %mul3A_933 : i32
      %dma_wait3A_935 = arith.constant 0 : i32
      %dma_wait3A_936 = arith.constant 0 : i32
      %dma_wait3A_937 = tpu.memref_slice %arg5[%dma_wait3A_935, %add3A_932, %mul3A_934, %dma_wait3A_936] : memref<1x256x256x256xf32, #tpu.memory_space<hbm>> -> memref<1x1x32x256xf32, #tpu.memory_space<hbm>>
      %dma_wait3A_938 = tpu.memref_squeeze %dma_wait3A_937 : memref<1x1x32x256xf32, #tpu.memory_space<hbm>> -> memref<32x256xf32, #tpu.memory_space<hbm>>
      %dma_wait3A_939 = arith.constant 0 : i32
      %dma_wait3A_940 = tpu.memref_slice %arg5[%dma_wait3A_935, %add3A_932, %mul3A_934, %dma_wait3A_939] : memref<1x256x256x256xf32, #tpu.memory_space<hbm>> -> memref<1x1x32x256xf32, #tpu.memory_space<hbm>>
      %dma_wait3A_941 = tpu.memref_squeeze %dma_wait3A_940 : memref<1x1x32x256xf32, #tpu.memory_space<hbm>> -> memref<32x256xf32, #tpu.memory_space<hbm>>
      tpu.wait_dma2 semaphore(%arg24 : memref<!tpu.dma_semaphore, #tpu.memory_space<semaphore_mem>>) src(%arg14 : memref<32x256xf32, #tpu.memory_space<vmem>>) dst(%dma_wait3A_941 : memref<32x256xf32, #tpu.memory_space<hbm>>)
      %add3A_942 = arith.constant 2 : i32
      %add3A_943 = arith.addi %mul3A_2, %add3A_942 : i32
      %mul3A_944 = arith.constant 32 : i32
      %mul3A_945 = arith.muli %add3A_917, %mul3A_944 : i32
      %dma_wait3A_946 = arith.constant 0 : i32
      %dma_wait3A_947 = arith.constant 0 : i32
      %dma_wait3A_948 = tpu.memref_slice %arg5[%dma_wait3A_946, %add3A_943, %mul3A_945, %dma_wait3A_947] : memref<1x256x256x256xf32, #tpu.memory_space<hbm>> -> memref<1x1x32x256xf32, #tpu.memory_space<hbm>>
      %dma_wait3A_949 = tpu.memref_squeeze %dma_wait3A_948 : memref<1x1x32x256xf32, #tpu.memory_space<hbm>> -> memref<32x256xf32, #tpu.memory_space<hbm>>
      %dma_wait3A_950 = arith.constant 0 : i32
      %dma_wait3A_951 = tpu.memref_slice %arg5[%dma_wait3A_946, %add3A_943, %mul3A_945, %dma_wait3A_950] : memref<1x256x256x256xf32, #tpu.memory_space<hbm>> -> memref<1x1x32x256xf32, #tpu.memory_space<hbm>>
      %dma_wait3A_952 = tpu.memref_squeeze %dma_wait3A_951 : memref<1x1x32x256xf32, #tpu.memory_space<hbm>> -> memref<32x256xf32, #tpu.memory_space<hbm>>
      tpu.wait_dma2 semaphore(%arg24 : memref<!tpu.dma_semaphore, #tpu.memory_space<semaphore_mem>>) src(%arg15 : memref<32x256xf32, #tpu.memory_space<vmem>>) dst(%dma_wait3A_952 : memref<32x256xf32, #tpu.memory_space<hbm>>)
      %add3A_953 = arith.constant 3 : i32
      %add3A_954 = arith.addi %mul3A_2, %add3A_953 : i32
      %mul3A_955 = arith.constant 32 : i32
      %mul3A_956 = arith.muli %add3A_917, %mul3A_955 : i32
      %dma_wait3A_957 = arith.constant 0 : i32
      %dma_wait3A_958 = arith.constant 0 : i32
      %dma_wait3A_959 = tpu.memref_slice %arg5[%dma_wait3A_957, %add3A_954, %mul3A_956, %dma_wait3A_958] : memref<1x256x256x256xf32, #tpu.memory_space<hbm>> -> memref<1x1x32x256xf32, #tpu.memory_space<hbm>>
      %dma_wait3A_960 = tpu.memref_squeeze %dma_wait3A_959 : memref<1x1x32x256xf32, #tpu.memory_space<hbm>> -> memref<32x256xf32, #tpu.memory_space<hbm>>
      %dma_wait3A_961 = arith.constant 0 : i32
      %dma_wait3A_962 = tpu.memref_slice %arg5[%dma_wait3A_957, %add3A_954, %mul3A_956, %dma_wait3A_961] : memref<1x256x256x256xf32, #tpu.memory_space<hbm>> -> memref<1x1x32x256xf32, #tpu.memory_space<hbm>>
      %dma_wait3A_963 = tpu.memref_squeeze %dma_wait3A_962 : memref<1x1x32x256xf32, #tpu.memory_space<hbm>> -> memref<32x256xf32, #tpu.memory_space<hbm>>
      tpu.wait_dma2 semaphore(%arg24 : memref<!tpu.dma_semaphore, #tpu.memory_space<semaphore_mem>>) src(%arg16 : memref<32x256xf32, #tpu.memory_space<vmem>>) dst(%dma_wait3A_963 : memref<32x256xf32, #tpu.memory_space<hbm>>)
      %add3A_964 = arith.constant 4 : i32
      %add3A_965 = arith.addi %mul3A_2, %add3A_964 : i32
      %mul3A_966 = arith.constant 32 : i32
      %mul3A_967 = arith.muli %add3A_917, %mul3A_966 : i32
      %dma_wait3A_968 = arith.constant 0 : i32
      %dma_wait3A_969 = arith.constant 0 : i32
      %dma_wait3A_970 = tpu.memref_slice %arg5[%dma_wait3A_968, %add3A_965, %mul3A_967, %dma_wait3A_969] : memref<1x256x256x256xf32, #tpu.memory_space<hbm>> -> memref<1x1x32x256xf32, #tpu.memory_space<hbm>>
      %dma_wait3A_971 = tpu.memref_squeeze %dma_wait3A_970 : memref<1x1x32x256xf32, #tpu.memory_space<hbm>> -> memref<32x256xf32, #tpu.memory_space<hbm>>
      %dma_wait3A_972 = arith.constant 0 : i32
      %dma_wait3A_973 = tpu.memref_slice %arg5[%dma_wait3A_968, %add3A_965, %mul3A_967, %dma_wait3A_972] : memref<1x256x256x256xf32, #tpu.memory_space<hbm>> -> memref<1x1x32x256xf32, #tpu.memory_space<hbm>>
      %dma_wait3A_974 = tpu.memref_squeeze %dma_wait3A_973 : memref<1x1x32x256xf32, #tpu.memory_space<hbm>> -> memref<32x256xf32, #tpu.memory_space<hbm>>
      tpu.wait_dma2 semaphore(%arg24 : memref<!tpu.dma_semaphore, #tpu.memory_space<semaphore_mem>>) src(%arg17 : memref<32x256xf32, #tpu.memory_space<vmem>>) dst(%dma_wait3A_974 : memref<32x256xf32, #tpu.memory_space<hbm>>)
      %add3A_975 = arith.constant 5 : i32
      %add3A_976 = arith.addi %mul3A_2, %add3A_975 : i32
      %mul3A_977 = arith.constant 32 : i32
      %mul3A_978 = arith.muli %add3A_917, %mul3A_977 : i32
      %dma_wait3A_979 = arith.constant 0 : i32
      %dma_wait3A_980 = arith.constant 0 : i32
      %dma_wait3A_981 = tpu.memref_slice %arg5[%dma_wait3A_979, %add3A_976, %mul3A_978, %dma_wait3A_980] : memref<1x256x256x256xf32, #tpu.memory_space<hbm>> -> memref<1x1x32x256xf32, #tpu.memory_space<hbm>>
      %dma_wait3A_982 = tpu.memref_squeeze %dma_wait3A_981 : memref<1x1x32x256xf32, #tpu.memory_space<hbm>> -> memref<32x256xf32, #tpu.memory_space<hbm>>
      %dma_wait3A_983 = arith.constant 0 : i32
      %dma_wait3A_984 = tpu.memref_slice %arg5[%dma_wait3A_979, %add3A_976, %mul3A_978, %dma_wait3A_983] : memref<1x256x256x256xf32, #tpu.memory_space<hbm>> -> memref<1x1x32x256xf32, #tpu.memory_space<hbm>>
      %dma_wait3A_985 = tpu.memref_squeeze %dma_wait3A_984 : memref<1x1x32x256xf32, #tpu.memory_space<hbm>> -> memref<32x256xf32, #tpu.memory_space<hbm>>
      tpu.wait_dma2 semaphore(%arg24 : memref<!tpu.dma_semaphore, #tpu.memory_space<semaphore_mem>>) src(%arg18 : memref<32x256xf32, #tpu.memory_space<vmem>>) dst(%dma_wait3A_985 : memref<32x256xf32, #tpu.memory_space<hbm>>)
      %add3A_986 = arith.constant 6 : i32
      %add3A_987 = arith.addi %mul3A_2, %add3A_986 : i32
      %mul3A_988 = arith.constant 32 : i32
      %mul3A_989 = arith.muli %add3A_917, %mul3A_988 : i32
      %dma_wait3A_990 = arith.constant 0 : i32
      %dma_wait3A_991 = arith.constant 0 : i32
      %dma_wait3A_992 = tpu.memref_slice %arg5[%dma_wait3A_990, %add3A_987, %mul3A_989, %dma_wait3A_991] : memref<1x256x256x256xf32, #tpu.memory_space<hbm>> -> memref<1x1x32x256xf32, #tpu.memory_space<hbm>>
      %dma_wait3A_993 = tpu.memref_squeeze %dma_wait3A_992 : memref<1x1x32x256xf32, #tpu.memory_space<hbm>> -> memref<32x256xf32, #tpu.memory_space<hbm>>
      %dma_wait3A_994 = arith.constant 0 : i32
      %dma_wait3A_995 = tpu.memref_slice %arg5[%dma_wait3A_990, %add3A_987, %mul3A_989, %dma_wait3A_994] : memref<1x256x256x256xf32, #tpu.memory_space<hbm>> -> memref<1x1x32x256xf32, #tpu.memory_space<hbm>>
      %dma_wait3A_996 = tpu.memref_squeeze %dma_wait3A_995 : memref<1x1x32x256xf32, #tpu.memory_space<hbm>> -> memref<32x256xf32, #tpu.memory_space<hbm>>
      tpu.wait_dma2 semaphore(%arg24 : memref<!tpu.dma_semaphore, #tpu.memory_space<semaphore_mem>>) src(%arg19 : memref<32x256xf32, #tpu.memory_space<vmem>>) dst(%dma_wait3A_996 : memref<32x256xf32, #tpu.memory_space<hbm>>)
      %add3A_997 = arith.constant 7 : i32
      %add3A_998 = arith.addi %mul3A_2, %add3A_997 : i32
      %mul3A_999 = arith.constant 32 : i32
      %mul3A_1000 = arith.muli %add3A_917, %mul3A_999 : i32
      %dma_wait3A_1001 = arith.constant 0 : i32
      %dma_wait3A_1002 = arith.constant 0 : i32
      %dma_wait3A_1003 = tpu.memref_slice %arg5[%dma_wait3A_1001, %add3A_998, %mul3A_1000, %dma_wait3A_1002] : memref<1x256x256x256xf32, #tpu.memory_space<hbm>> -> memref<1x1x32x256xf32, #tpu.memory_space<hbm>>
      %dma_wait3A_1004 = tpu.memref_squeeze %dma_wait3A_1003 : memref<1x1x32x256xf32, #tpu.memory_space<hbm>> -> memref<32x256xf32, #tpu.memory_space<hbm>>
      %dma_wait3A_1005 = arith.constant 0 : i32
      %dma_wait3A_1006 = tpu.memref_slice %arg5[%dma_wait3A_1001, %add3A_998, %mul3A_1000, %dma_wait3A_1005] : memref<1x256x256x256xf32, #tpu.memory_space<hbm>> -> memref<1x1x32x256xf32, #tpu.memory_space<hbm>>
      %dma_wait3A_1007 = tpu.memref_squeeze %dma_wait3A_1006 : memref<1x1x32x256xf32, #tpu.memory_space<hbm>> -> memref<32x256xf32, #tpu.memory_space<hbm>>
      tpu.wait_dma2 semaphore(%arg24 : memref<!tpu.dma_semaphore, #tpu.memory_space<semaphore_mem>>) src(%arg20 : memref<32x256xf32, #tpu.memory_space<vmem>>) dst(%dma_wait3A_1007 : memref<32x256xf32, #tpu.memory_space<hbm>>)
      %mul3A_1008 = arith.constant 32 : i32
      %mul3A_1009 = arith.muli %add3A_917, %mul3A_1008 : i32
      %add3A_1010 = arith.constant 0 : i32
      %add3A_1011 = arith.addi %mul3A_2, %add3A_1010 : i32
      %mul3A_1012 = arith.constant 32 : i32
      %mul3A_1013 = arith.muli %add3A_917, %mul3A_1012 : i32
      %dma_start3A_1014 = arith.constant 0 : i32
      %dma_start3A_1015 = arith.constant 0 : i32
      %dma_start3A_1016 = tpu.memref_slice %arg5[%dma_start3A_1014, %add3A_1011, %mul3A_1013, %dma_start3A_1015] : memref<1x256x256x256xf32, #tpu.memory_space<hbm>> -> memref<1x1x32x256xf32, #tpu.memory_space<hbm>>
      %dma_start3A_1017 = tpu.memref_squeeze %dma_start3A_1016 : memref<1x1x32x256xf32, #tpu.memory_space<hbm>> -> memref<32x256xf32, #tpu.memory_space<hbm>>
      %dma_start3A_1018 = arith.constant 0 : i32
      %dma_start3A_1019 = tpu.memref_slice %arg5[%dma_start3A_1014, %add3A_1011, %mul3A_1013, %dma_start3A_1018] : memref<1x256x256x256xf32, #tpu.memory_space<hbm>> -> memref<1x1x32x256xf32, #tpu.memory_space<hbm>>
      %dma_start3A_1020 = tpu.memref_squeeze %dma_start3A_1019 : memref<1x1x32x256xf32, #tpu.memory_space<hbm>> -> memref<32x256xf32, #tpu.memory_space<hbm>>
      tpu.enqueue_dma source(%arg13 : memref<32x256xf32, #tpu.memory_space<vmem>>) target(%dma_start3A_1020 : memref<32x256xf32, #tpu.memory_space<hbm>>) target_semaphore(%arg24 : memref<!tpu.dma_semaphore, #tpu.memory_space<semaphore_mem>>)
      %add3A_1021 = arith.constant 1 : i32
      %add3A_1022 = arith.addi %mul3A_2, %add3A_1021 : i32
      %mul3A_1023 = arith.constant 32 : i32
      %mul3A_1024 = arith.muli %add3A_917, %mul3A_1023 : i32
      %dma_start3A_1025 = arith.constant 0 : i32
      %dma_start3A_1026 = arith.constant 0 : i32
      %dma_start3A_1027 = tpu.memref_slice %arg5[%dma_start3A_1025, %add3A_1022, %mul3A_1024, %dma_start3A_1026] : memref<1x256x256x256xf32, #tpu.memory_space<hbm>> -> memref<1x1x32x256xf32, #tpu.memory_space<hbm>>
      %dma_start3A_1028 = tpu.memref_squeeze %dma_start3A_1027 : memref<1x1x32x256xf32, #tpu.memory_space<hbm>> -> memref<32x256xf32, #tpu.memory_space<hbm>>
      %dma_start3A_1029 = arith.constant 0 : i32
      %dma_start3A_1030 = tpu.memref_slice %arg5[%dma_start3A_1025, %add3A_1022, %mul3A_1024, %dma_start3A_1029] : memref<1x256x256x256xf32, #tpu.memory_space<hbm>> -> memref<1x1x32x256xf32, #tpu.memory_space<hbm>>
      %dma_start3A_1031 = tpu.memref_squeeze %dma_start3A_1030 : memref<1x1x32x256xf32, #tpu.memory_space<hbm>> -> memref<32x256xf32, #tpu.memory_space<hbm>>
      tpu.enqueue_dma source(%arg14 : memref<32x256xf32, #tpu.memory_space<vmem>>) target(%dma_start3A_1031 : memref<32x256xf32, #tpu.memory_space<hbm>>) target_semaphore(%arg24 : memref<!tpu.dma_semaphore, #tpu.memory_space<semaphore_mem>>)
      %add3A_1032 = arith.constant 2 : i32
      %add3A_1033 = arith.addi %mul3A_2, %add3A_1032 : i32
      %mul3A_1034 = arith.constant 32 : i32
      %mul3A_1035 = arith.muli %add3A_917, %mul3A_1034 : i32
      %dma_start3A_1036 = arith.constant 0 : i32
      %dma_start3A_1037 = arith.constant 0 : i32
      %dma_start3A_1038 = tpu.memref_slice %arg5[%dma_start3A_1036, %add3A_1033, %mul3A_1035, %dma_start3A_1037] : memref<1x256x256x256xf32, #tpu.memory_space<hbm>> -> memref<1x1x32x256xf32, #tpu.memory_space<hbm>>
      %dma_start3A_1039 = tpu.memref_squeeze %dma_start3A_1038 : memref<1x1x32x256xf32, #tpu.memory_space<hbm>> -> memref<32x256xf32, #tpu.memory_space<hbm>>
      %dma_start3A_1040 = arith.constant 0 : i32
      %dma_start3A_1041 = tpu.memref_slice %arg5[%dma_start3A_1036, %add3A_1033, %mul3A_1035, %dma_start3A_1040] : memref<1x256x256x256xf32, #tpu.memory_space<hbm>> -> memref<1x1x32x256xf32, #tpu.memory_space<hbm>>
      %dma_start3A_1042 = tpu.memref_squeeze %dma_start3A_1041 : memref<1x1x32x256xf32, #tpu.memory_space<hbm>> -> memref<32x256xf32, #tpu.memory_space<hbm>>
      tpu.enqueue_dma source(%arg15 : memref<32x256xf32, #tpu.memory_space<vmem>>) target(%dma_start3A_1042 : memref<32x256xf32, #tpu.memory_space<hbm>>) target_semaphore(%arg24 : memref<!tpu.dma_semaphore, #tpu.memory_space<semaphore_mem>>)
      %add3A_1043 = arith.constant 3 : i32
      %add3A_1044 = arith.addi %mul3A_2, %add3A_1043 : i32
      %mul3A_1045 = arith.constant 32 : i32
      %mul3A_1046 = arith.muli %add3A_917, %mul3A_1045 : i32
      %dma_start3A_1047 = arith.constant 0 : i32
      %dma_start3A_1048 = arith.constant 0 : i32
      %dma_start3A_1049 = tpu.memref_slice %arg5[%dma_start3A_1047, %add3A_1044, %mul3A_1046, %dma_start3A_1048] : memref<1x256x256x256xf32, #tpu.memory_space<hbm>> -> memref<1x1x32x256xf32, #tpu.memory_space<hbm>>
      %dma_start3A_1050 = tpu.memref_squeeze %dma_start3A_1049 : memref<1x1x32x256xf32, #tpu.memory_space<hbm>> -> memref<32x256xf32, #tpu.memory_space<hbm>>
      %dma_start3A_1051 = arith.constant 0 : i32
      %dma_start3A_1052 = tpu.memref_slice %arg5[%dma_start3A_1047, %add3A_1044, %mul3A_1046, %dma_start3A_1051] : memref<1x256x256x256xf32, #tpu.memory_space<hbm>> -> memref<1x1x32x256xf32, #tpu.memory_space<hbm>>
      %dma_start3A_1053 = tpu.memref_squeeze %dma_start3A_1052 : memref<1x1x32x256xf32, #tpu.memory_space<hbm>> -> memref<32x256xf32, #tpu.memory_space<hbm>>
      tpu.enqueue_dma source(%arg16 : memref<32x256xf32, #tpu.memory_space<vmem>>) target(%dma_start3A_1053 : memref<32x256xf32, #tpu.memory_space<hbm>>) target_semaphore(%arg24 : memref<!tpu.dma_semaphore, #tpu.memory_space<semaphore_mem>>)
      %add3A_1054 = arith.constant 4 : i32
      %add3A_1055 = arith.addi %mul3A_2, %add3A_1054 : i32
      %mul3A_1056 = arith.constant 32 : i32
      %mul3A_1057 = arith.muli %add3A_917, %mul3A_1056 : i32
      %dma_start3A_1058 = arith.constant 0 : i32
      %dma_start3A_1059 = arith.constant 0 : i32
      %dma_start3A_1060 = tpu.memref_slice %arg5[%dma_start3A_1058, %add3A_1055, %mul3A_1057, %dma_start3A_1059] : memref<1x256x256x256xf32, #tpu.memory_space<hbm>> -> memref<1x1x32x256xf32, #tpu.memory_space<hbm>>
      %dma_start3A_1061 = tpu.memref_squeeze %dma_start3A_1060 : memref<1x1x32x256xf32, #tpu.memory_space<hbm>> -> memref<32x256xf32, #tpu.memory_space<hbm>>
      %dma_start3A_1062 = arith.constant 0 : i32
      %dma_start3A_1063 = tpu.memref_slice %arg5[%dma_start3A_1058, %add3A_1055, %mul3A_1057, %dma_start3A_1062] : memref<1x256x256x256xf32, #tpu.memory_space<hbm>> -> memref<1x1x32x256xf32, #tpu.memory_space<hbm>>
      %dma_start3A_1064 = tpu.memref_squeeze %dma_start3A_1063 : memref<1x1x32x256xf32, #tpu.memory_space<hbm>> -> memref<32x256xf32, #tpu.memory_space<hbm>>
      tpu.enqueue_dma source(%arg17 : memref<32x256xf32, #tpu.memory_space<vmem>>) target(%dma_start3A_1064 : memref<32x256xf32, #tpu.memory_space<hbm>>) target_semaphore(%arg24 : memref<!tpu.dma_semaphore, #tpu.memory_space<semaphore_mem>>)
      %add3A_1065 = arith.constant 5 : i32
      %add3A_1066 = arith.addi %mul3A_2, %add3A_1065 : i32
      %mul3A_1067 = arith.constant 32 : i32
      %mul3A_1068 = arith.muli %add3A_917, %mul3A_1067 : i32
      %dma_start3A_1069 = arith.constant 0 : i32
      %dma_start3A_1070 = arith.constant 0 : i32
      %dma_start3A_1071 = tpu.memref_slice %arg5[%dma_start3A_1069, %add3A_1066, %mul3A_1068, %dma_start3A_1070] : memref<1x256x256x256xf32, #tpu.memory_space<hbm>> -> memref<1x1x32x256xf32, #tpu.memory_space<hbm>>
      %dma_start3A_1072 = tpu.memref_squeeze %dma_start3A_1071 : memref<1x1x32x256xf32, #tpu.memory_space<hbm>> -> memref<32x256xf32, #tpu.memory_space<hbm>>
      %dma_start3A_1073 = arith.constant 0 : i32
      %dma_start3A_1074 = tpu.memref_slice %arg5[%dma_start3A_1069, %add3A_1066, %mul3A_1068, %dma_start3A_1073] : memref<1x256x256x256xf32, #tpu.memory_space<hbm>> -> memref<1x1x32x256xf32, #tpu.memory_space<hbm>>
      %dma_start3A_1075 = tpu.memref_squeeze %dma_start3A_1074 : memref<1x1x32x256xf32, #tpu.memory_space<hbm>> -> memref<32x256xf32, #tpu.memory_space<hbm>>
      tpu.enqueue_dma source(%arg18 : memref<32x256xf32, #tpu.memory_space<vmem>>) target(%dma_start3A_1075 : memref<32x256xf32, #tpu.memory_space<hbm>>) target_semaphore(%arg24 : memref<!tpu.dma_semaphore, #tpu.memory_space<semaphore_mem>>)
      %add3A_1076 = arith.constant 6 : i32
      %add3A_1077 = arith.addi %mul3A_2, %add3A_1076 : i32
      %mul3A_1078 = arith.constant 32 : i32
      %mul3A_1079 = arith.muli %add3A_917, %mul3A_1078 : i32
      %dma_start3A_1080 = arith.constant 0 : i32
      %dma_start3A_1081 = arith.constant 0 : i32
      %dma_start3A_1082 = tpu.memref_slice %arg5[%dma_start3A_1080, %add3A_1077, %mul3A_1079, %dma_start3A_1081] : memref<1x256x256x256xf32, #tpu.memory_space<hbm>> -> memref<1x1x32x256xf32, #tpu.memory_space<hbm>>
      %dma_start3A_1083 = tpu.memref_squeeze %dma_start3A_1082 : memref<1x1x32x256xf32, #tpu.memory_space<hbm>> -> memref<32x256xf32, #tpu.memory_space<hbm>>
      %dma_start3A_1084 = arith.constant 0 : i32
      %dma_start3A_1085 = tpu.memref_slice %arg5[%dma_start3A_1080, %add3A_1077, %mul3A_1079, %dma_start3A_1084] : memref<1x256x256x256xf32, #tpu.memory_space<hbm>> -> memref<1x1x32x256xf32, #tpu.memory_space<hbm>>
      %dma_start3A_1086 = tpu.memref_squeeze %dma_start3A_1085 : memref<1x1x32x256xf32, #tpu.memory_space<hbm>> -> memref<32x256xf32, #tpu.memory_space<hbm>>
      tpu.enqueue_dma source(%arg19 : memref<32x256xf32, #tpu.memory_space<vmem>>) target(%dma_start3A_1086 : memref<32x256xf32, #tpu.memory_space<hbm>>) target_semaphore(%arg24 : memref<!tpu.dma_semaphore, #tpu.memory_space<semaphore_mem>>)
      %add3A_1087 = arith.constant 7 : i32
      %add3A_1088 = arith.addi %mul3A_2, %add3A_1087 : i32
      %mul3A_1089 = arith.constant 32 : i32
      %mul3A_1090 = arith.muli %add3A_917, %mul3A_1089 : i32
      %dma_start3A_1091 = arith.constant 0 : i32
      %dma_start3A_1092 = arith.constant 0 : i32
      %dma_start3A_1093 = tpu.memref_slice %arg5[%dma_start3A_1091, %add3A_1088, %mul3A_1090, %dma_start3A_1092] : memref<1x256x256x256xf32, #tpu.memory_space<hbm>> -> memref<1x1x32x256xf32, #tpu.memory_space<hbm>>
      %dma_start3A_1094 = tpu.memref_squeeze %dma_start3A_1093 : memref<1x1x32x256xf32, #tpu.memory_space<hbm>> -> memref<32x256xf32, #tpu.memory_space<hbm>>
      %dma_start3A_1095 = arith.constant 0 : i32
      %dma_start3A_1096 = tpu.memref_slice %arg5[%dma_start3A_1091, %add3A_1088, %mul3A_1090, %dma_start3A_1095] : memref<1x256x256x256xf32, #tpu.memory_space<hbm>> -> memref<1x1x32x256xf32, #tpu.memory_space<hbm>>
      %dma_start3A_1097 = tpu.memref_squeeze %dma_start3A_1096 : memref<1x1x32x256xf32, #tpu.memory_space<hbm>> -> memref<32x256xf32, #tpu.memory_space<hbm>>
      tpu.enqueue_dma source(%arg20 : memref<32x256xf32, #tpu.memory_space<vmem>>) target(%dma_start3A_1097 : memref<32x256xf32, #tpu.memory_space<hbm>>) target_semaphore(%arg24 : memref<!tpu.dma_semaphore, #tpu.memory_space<semaphore_mem>>)
    }
    %scan3A_205 = arith.constant 2 : i32
    %add3A_206 = arith.constant 0 : i32
    %add3A_207 = arith.addi %mul3A_2, %add3A_206 : i32
    %dma_wait3A = arith.constant 0 : i32
    %dma_wait3A_208 = arith.constant 192 : i32
    %dma_wait3A_209 = arith.constant 0 : i32
    %dma_wait3A_210 = tpu.memref_slice %arg5[%dma_wait3A, %add3A_207, %dma_wait3A_208, %dma_wait3A_209] : memref<1x256x256x256xf32, #tpu.memory_space<hbm>> -> memref<1x1x32x256xf32, #tpu.memory_space<hbm>>
    %dma_wait3A_211 = tpu.memref_squeeze %dma_wait3A_210 : memref<1x1x32x256xf32, #tpu.memory_space<hbm>> -> memref<32x256xf32, #tpu.memory_space<hbm>>
    %dma_wait3A_212 = arith.constant 192 : i32
    %dma_wait3A_213 = arith.constant 0 : i32
    %dma_wait3A_214 = tpu.memref_slice %arg5[%dma_wait3A, %add3A_207, %dma_wait3A_212, %dma_wait3A_213] : memref<1x256x256x256xf32, #tpu.memory_space<hbm>> -> memref<1x1x32x256xf32, #tpu.memory_space<hbm>>
    %dma_wait3A_215 = tpu.memref_squeeze %dma_wait3A_214 : memref<1x1x32x256xf32, #tpu.memory_space<hbm>> -> memref<32x256xf32, #tpu.memory_space<hbm>>
    tpu.wait_dma2 semaphore(%arg23 : memref<!tpu.dma_semaphore, #tpu.memory_space<semaphore_mem>>) src(%arg13 : memref<32x256xf32, #tpu.memory_space<vmem>>) dst(%dma_wait3A_215 : memref<32x256xf32, #tpu.memory_space<hbm>>)
    %add3A_216 = arith.constant 1 : i32
    %add3A_217 = arith.addi %mul3A_2, %add3A_216 : i32
    %dma_wait3A_218 = arith.constant 0 : i32
    %dma_wait3A_219 = arith.constant 192 : i32
    %dma_wait3A_220 = arith.constant 0 : i32
    %dma_wait3A_221 = tpu.memref_slice %arg5[%dma_wait3A_218, %add3A_217, %dma_wait3A_219, %dma_wait3A_220] : memref<1x256x256x256xf32, #tpu.memory_space<hbm>> -> memref<1x1x32x256xf32, #tpu.memory_space<hbm>>
    %dma_wait3A_222 = tpu.memref_squeeze %dma_wait3A_221 : memref<1x1x32x256xf32, #tpu.memory_space<hbm>> -> memref<32x256xf32, #tpu.memory_space<hbm>>
    %dma_wait3A_223 = arith.constant 192 : i32
    %dma_wait3A_224 = arith.constant 0 : i32
    %dma_wait3A_225 = tpu.memref_slice %arg5[%dma_wait3A_218, %add3A_217, %dma_wait3A_223, %dma_wait3A_224] : memref<1x256x256x256xf32, #tpu.memory_space<hbm>> -> memref<1x1x32x256xf32, #tpu.memory_space<hbm>>
    %dma_wait3A_226 = tpu.memref_squeeze %dma_wait3A_225 : memref<1x1x32x256xf32, #tpu.memory_space<hbm>> -> memref<32x256xf32, #tpu.memory_space<hbm>>
    tpu.wait_dma2 semaphore(%arg23 : memref<!tpu.dma_semaphore, #tpu.memory_space<semaphore_mem>>) src(%arg14 : memref<32x256xf32, #tpu.memory_space<vmem>>) dst(%dma_wait3A_226 : memref<32x256xf32, #tpu.memory_space<hbm>>)
    %add3A_227 = arith.constant 2 : i32
    %add3A_228 = arith.addi %mul3A_2, %add3A_227 : i32
    %dma_wait3A_229 = arith.constant 0 : i32
    %dma_wait3A_230 = arith.constant 192 : i32
    %dma_wait3A_231 = arith.constant 0 : i32
    %dma_wait3A_232 = tpu.memref_slice %arg5[%dma_wait3A_229, %add3A_228, %dma_wait3A_230, %dma_wait3A_231] : memref<1x256x256x256xf32, #tpu.memory_space<hbm>> -> memref<1x1x32x256xf32, #tpu.memory_space<hbm>>
    %dma_wait3A_233 = tpu.memref_squeeze %dma_wait3A_232 : memref<1x1x32x256xf32, #tpu.memory_space<hbm>> -> memref<32x256xf32, #tpu.memory_space<hbm>>
    %dma_wait3A_234 = arith.constant 192 : i32
    %dma_wait3A_235 = arith.constant 0 : i32
    %dma_wait3A_236 = tpu.memref_slice %arg5[%dma_wait3A_229, %add3A_228, %dma_wait3A_234, %dma_wait3A_235] : memref<1x256x256x256xf32, #tpu.memory_space<hbm>> -> memref<1x1x32x256xf32, #tpu.memory_space<hbm>>
    %dma_wait3A_237 = tpu.memref_squeeze %dma_wait3A_236 : memref<1x1x32x256xf32, #tpu.memory_space<hbm>> -> memref<32x256xf32, #tpu.memory_space<hbm>>
    tpu.wait_dma2 semaphore(%arg23 : memref<!tpu.dma_semaphore, #tpu.memory_space<semaphore_mem>>) src(%arg15 : memref<32x256xf32, #tpu.memory_space<vmem>>) dst(%dma_wait3A_237 : memref<32x256xf32, #tpu.memory_space<hbm>>)
    %add3A_238 = arith.constant 3 : i32
    %add3A_239 = arith.addi %mul3A_2, %add3A_238 : i32
    %dma_wait3A_240 = arith.constant 0 : i32
    %dma_wait3A_241 = arith.constant 192 : i32
    %dma_wait3A_242 = arith.constant 0 : i32
    %dma_wait3A_243 = tpu.memref_slice %arg5[%dma_wait3A_240, %add3A_239, %dma_wait3A_241, %dma_wait3A_242] : memref<1x256x256x256xf32, #tpu.memory_space<hbm>> -> memref<1x1x32x256xf32, #tpu.memory_space<hbm>>
    %dma_wait3A_244 = tpu.memref_squeeze %dma_wait3A_243 : memref<1x1x32x256xf32, #tpu.memory_space<hbm>> -> memref<32x256xf32, #tpu.memory_space<hbm>>
    %dma_wait3A_245 = arith.constant 192 : i32
    %dma_wait3A_246 = arith.constant 0 : i32
    %dma_wait3A_247 = tpu.memref_slice %arg5[%dma_wait3A_240, %add3A_239, %dma_wait3A_245, %dma_wait3A_246] : memref<1x256x256x256xf32, #tpu.memory_space<hbm>> -> memref<1x1x32x256xf32, #tpu.memory_space<hbm>>
    %dma_wait3A_248 = tpu.memref_squeeze %dma_wait3A_247 : memref<1x1x32x256xf32, #tpu.memory_space<hbm>> -> memref<32x256xf32, #tpu.memory_space<hbm>>
    tpu.wait_dma2 semaphore(%arg23 : memref<!tpu.dma_semaphore, #tpu.memory_space<semaphore_mem>>) src(%arg16 : memref<32x256xf32, #tpu.memory_space<vmem>>) dst(%dma_wait3A_248 : memref<32x256xf32, #tpu.memory_space<hbm>>)
    %add3A_249 = arith.constant 4 : i32
    %add3A_250 = arith.addi %mul3A_2, %add3A_249 : i32
    %dma_wait3A_251 = arith.constant 0 : i32
    %dma_wait3A_252 = arith.constant 192 : i32
    %dma_wait3A_253 = arith.constant 0 : i32
    %dma_wait3A_254 = tpu.memref_slice %arg5[%dma_wait3A_251, %add3A_250, %dma_wait3A_252, %dma_wait3A_253] : memref<1x256x256x256xf32, #tpu.memory_space<hbm>> -> memref<1x1x32x256xf32, #tpu.memory_space<hbm>>
    %dma_wait3A_255 = tpu.memref_squeeze %dma_wait3A_254 : memref<1x1x32x256xf32, #tpu.memory_space<hbm>> -> memref<32x256xf32, #tpu.memory_space<hbm>>
    %dma_wait3A_256 = arith.constant 192 : i32
    %dma_wait3A_257 = arith.constant 0 : i32
    %dma_wait3A_258 = tpu.memref_slice %arg5[%dma_wait3A_251, %add3A_250, %dma_wait3A_256, %dma_wait3A_257] : memref<1x256x256x256xf32, #tpu.memory_space<hbm>> -> memref<1x1x32x256xf32, #tpu.memory_space<hbm>>
    %dma_wait3A_259 = tpu.memref_squeeze %dma_wait3A_258 : memref<1x1x32x256xf32, #tpu.memory_space<hbm>> -> memref<32x256xf32, #tpu.memory_space<hbm>>
    tpu.wait_dma2 semaphore(%arg23 : memref<!tpu.dma_semaphore, #tpu.memory_space<semaphore_mem>>) src(%arg17 : memref<32x256xf32, #tpu.memory_space<vmem>>) dst(%dma_wait3A_259 : memref<32x256xf32, #tpu.memory_space<hbm>>)
    %add3A_260 = arith.constant 5 : i32
    %add3A_261 = arith.addi %mul3A_2, %add3A_260 : i32
    %dma_wait3A_262 = arith.constant 0 : i32
    %dma_wait3A_263 = arith.constant 192 : i32
    %dma_wait3A_264 = arith.constant 0 : i32
    %dma_wait3A_265 = tpu.memref_slice %arg5[%dma_wait3A_262, %add3A_261, %dma_wait3A_263, %dma_wait3A_264] : memref<1x256x256x256xf32, #tpu.memory_space<hbm>> -> memref<1x1x32x256xf32, #tpu.memory_space<hbm>>
    %dma_wait3A_266 = tpu.memref_squeeze %dma_wait3A_265 : memref<1x1x32x256xf32, #tpu.memory_space<hbm>> -> memref<32x256xf32, #tpu.memory_space<hbm>>
    %dma_wait3A_267 = arith.constant 192 : i32
    %dma_wait3A_268 = arith.constant 0 : i32
    %dma_wait3A_269 = tpu.memref_slice %arg5[%dma_wait3A_262, %add3A_261, %dma_wait3A_267, %dma_wait3A_268] : memref<1x256x256x256xf32, #tpu.memory_space<hbm>> -> memref<1x1x32x256xf32, #tpu.memory_space<hbm>>
    %dma_wait3A_270 = tpu.memref_squeeze %dma_wait3A_269 : memref<1x1x32x256xf32, #tpu.memory_space<hbm>> -> memref<32x256xf32, #tpu.memory_space<hbm>>
    tpu.wait_dma2 semaphore(%arg23 : memref<!tpu.dma_semaphore, #tpu.memory_space<semaphore_mem>>) src(%arg18 : memref<32x256xf32, #tpu.memory_space<vmem>>) dst(%dma_wait3A_270 : memref<32x256xf32, #tpu.memory_space<hbm>>)
    %add3A_271 = arith.constant 6 : i32
    %add3A_272 = arith.addi %mul3A_2, %add3A_271 : i32
    %dma_wait3A_273 = arith.constant 0 : i32
    %dma_wait3A_274 = arith.constant 192 : i32
    %dma_wait3A_275 = arith.constant 0 : i32
    %dma_wait3A_276 = tpu.memref_slice %arg5[%dma_wait3A_273, %add3A_272, %dma_wait3A_274, %dma_wait3A_275] : memref<1x256x256x256xf32, #tpu.memory_space<hbm>> -> memref<1x1x32x256xf32, #tpu.memory_space<hbm>>
    %dma_wait3A_277 = tpu.memref_squeeze %dma_wait3A_276 : memref<1x1x32x256xf32, #tpu.memory_space<hbm>> -> memref<32x256xf32, #tpu.memory_space<hbm>>
    %dma_wait3A_278 = arith.constant 192 : i32
    %dma_wait3A_279 = arith.constant 0 : i32
    %dma_wait3A_280 = tpu.memref_slice %arg5[%dma_wait3A_273, %add3A_272, %dma_wait3A_278, %dma_wait3A_279] : memref<1x256x256x256xf32, #tpu.memory_space<hbm>> -> memref<1x1x32x256xf32, #tpu.memory_space<hbm>>
    %dma_wait3A_281 = tpu.memref_squeeze %dma_wait3A_280 : memref<1x1x32x256xf32, #tpu.memory_space<hbm>> -> memref<32x256xf32, #tpu.memory_space<hbm>>
    tpu.wait_dma2 semaphore(%arg23 : memref<!tpu.dma_semaphore, #tpu.memory_space<semaphore_mem>>) src(%arg19 : memref<32x256xf32, #tpu.memory_space<vmem>>) dst(%dma_wait3A_281 : memref<32x256xf32, #tpu.memory_space<hbm>>)
    %add3A_282 = arith.constant 7 : i32
    %add3A_283 = arith.addi %mul3A_2, %add3A_282 : i32
    %dma_wait3A_284 = arith.constant 0 : i32
    %dma_wait3A_285 = arith.constant 192 : i32
    %dma_wait3A_286 = arith.constant 0 : i32
    %dma_wait3A_287 = tpu.memref_slice %arg5[%dma_wait3A_284, %add3A_283, %dma_wait3A_285, %dma_wait3A_286] : memref<1x256x256x256xf32, #tpu.memory_space<hbm>> -> memref<1x1x32x256xf32, #tpu.memory_space<hbm>>
    %dma_wait3A_288 = tpu.memref_squeeze %dma_wait3A_287 : memref<1x1x32x256xf32, #tpu.memory_space<hbm>> -> memref<32x256xf32, #tpu.memory_space<hbm>>
    %dma_wait3A_289 = arith.constant 192 : i32
    %dma_wait3A_290 = arith.constant 0 : i32
    %dma_wait3A_291 = tpu.memref_slice %arg5[%dma_wait3A_284, %add3A_283, %dma_wait3A_289, %dma_wait3A_290] : memref<1x256x256x256xf32, #tpu.memory_space<hbm>> -> memref<1x1x32x256xf32, #tpu.memory_space<hbm>>
    %dma_wait3A_292 = tpu.memref_squeeze %dma_wait3A_291 : memref<1x1x32x256xf32, #tpu.memory_space<hbm>> -> memref<32x256xf32, #tpu.memory_space<hbm>>
    tpu.wait_dma2 semaphore(%arg23 : memref<!tpu.dma_semaphore, #tpu.memory_space<semaphore_mem>>) src(%arg20 : memref<32x256xf32, #tpu.memory_space<vmem>>) dst(%dma_wait3A_292 : memref<32x256xf32, #tpu.memory_space<hbm>>)
    %add3A_293 = arith.constant 0 : i32
    %add3A_294 = arith.addi %mul3A_2, %add3A_293 : i32
    %dma_start3A_295 = arith.constant 0 : i32
    %dma_start3A_296 = arith.constant 192 : i32
    %dma_start3A_297 = arith.constant 0 : i32
    %dma_start3A_298 = tpu.memref_slice %arg5[%dma_start3A_295, %add3A_294, %dma_start3A_296, %dma_start3A_297] : memref<1x256x256x256xf32, #tpu.memory_space<hbm>> -> memref<1x1x32x256xf32, #tpu.memory_space<hbm>>
    %dma_start3A_299 = tpu.memref_squeeze %dma_start3A_298 : memref<1x1x32x256xf32, #tpu.memory_space<hbm>> -> memref<32x256xf32, #tpu.memory_space<hbm>>
    %dma_start3A_300 = arith.constant 192 : i32
    %dma_start3A_301 = arith.constant 0 : i32
    %dma_start3A_302 = tpu.memref_slice %arg5[%dma_start3A_295, %add3A_294, %dma_start3A_300, %dma_start3A_301] : memref<1x256x256x256xf32, #tpu.memory_space<hbm>> -> memref<1x1x32x256xf32, #tpu.memory_space<hbm>>
    %dma_start3A_303 = tpu.memref_squeeze %dma_start3A_302 : memref<1x1x32x256xf32, #tpu.memory_space<hbm>> -> memref<32x256xf32, #tpu.memory_space<hbm>>
    tpu.enqueue_dma source(%arg13 : memref<32x256xf32, #tpu.memory_space<vmem>>) target(%dma_start3A_303 : memref<32x256xf32, #tpu.memory_space<hbm>>) target_semaphore(%arg23 : memref<!tpu.dma_semaphore, #tpu.memory_space<semaphore_mem>>)
    %add3A_304 = arith.constant 1 : i32
    %add3A_305 = arith.addi %mul3A_2, %add3A_304 : i32
    %dma_start3A_306 = arith.constant 0 : i32
    %dma_start3A_307 = arith.constant 192 : i32
    %dma_start3A_308 = arith.constant 0 : i32
    %dma_start3A_309 = tpu.memref_slice %arg5[%dma_start3A_306, %add3A_305, %dma_start3A_307, %dma_start3A_308] : memref<1x256x256x256xf32, #tpu.memory_space<hbm>> -> memref<1x1x32x256xf32, #tpu.memory_space<hbm>>
    %dma_start3A_310 = tpu.memref_squeeze %dma_start3A_309 : memref<1x1x32x256xf32, #tpu.memory_space<hbm>> -> memref<32x256xf32, #tpu.memory_space<hbm>>
    %dma_start3A_311 = arith.constant 192 : i32
    %dma_start3A_312 = arith.constant 0 : i32
    %dma_start3A_313 = tpu.memref_slice %arg5[%dma_start3A_306, %add3A_305, %dma_start3A_311, %dma_start3A_312] : memref<1x256x256x256xf32, #tpu.memory_space<hbm>> -> memref<1x1x32x256xf32, #tpu.memory_space<hbm>>
    %dma_start3A_314 = tpu.memref_squeeze %dma_start3A_313 : memref<1x1x32x256xf32, #tpu.memory_space<hbm>> -> memref<32x256xf32, #tpu.memory_space<hbm>>
    tpu.enqueue_dma source(%arg14 : memref<32x256xf32, #tpu.memory_space<vmem>>) target(%dma_start3A_314 : memref<32x256xf32, #tpu.memory_space<hbm>>) target_semaphore(%arg23 : memref<!tpu.dma_semaphore, #tpu.memory_space<semaphore_mem>>)
    %add3A_315 = arith.constant 2 : i32
    %add3A_316 = arith.addi %mul3A_2, %add3A_315 : i32
    %dma_start3A_317 = arith.constant 0 : i32
    %dma_start3A_318 = arith.constant 192 : i32
    %dma_start3A_319 = arith.constant 0 : i32
    %dma_start3A_320 = tpu.memref_slice %arg5[%dma_start3A_317, %add3A_316, %dma_start3A_318, %dma_start3A_319] : memref<1x256x256x256xf32, #tpu.memory_space<hbm>> -> memref<1x1x32x256xf32, #tpu.memory_space<hbm>>
    %dma_start3A_321 = tpu.memref_squeeze %dma_start3A_320 : memref<1x1x32x256xf32, #tpu.memory_space<hbm>> -> memref<32x256xf32, #tpu.memory_space<hbm>>
    %dma_start3A_322 = arith.constant 192 : i32
    %dma_start3A_323 = arith.constant 0 : i32
    %dma_start3A_324 = tpu.memref_slice %arg5[%dma_start3A_317, %add3A_316, %dma_start3A_322, %dma_start3A_323] : memref<1x256x256x256xf32, #tpu.memory_space<hbm>> -> memref<1x1x32x256xf32, #tpu.memory_space<hbm>>
    %dma_start3A_325 = tpu.memref_squeeze %dma_start3A_324 : memref<1x1x32x256xf32, #tpu.memory_space<hbm>> -> memref<32x256xf32, #tpu.memory_space<hbm>>
    tpu.enqueue_dma source(%arg15 : memref<32x256xf32, #tpu.memory_space<vmem>>) target(%dma_start3A_325 : memref<32x256xf32, #tpu.memory_space<hbm>>) target_semaphore(%arg23 : memref<!tpu.dma_semaphore, #tpu.memory_space<semaphore_mem>>)
    %add3A_326 = arith.constant 3 : i32
    %add3A_327 = arith.addi %mul3A_2, %add3A_326 : i32
    %dma_start3A_328 = arith.constant 0 : i32
    %dma_start3A_329 = arith.constant 192 : i32
    %dma_start3A_330 = arith.constant 0 : i32
    %dma_start3A_331 = tpu.memref_slice %arg5[%dma_start3A_328, %add3A_327, %dma_start3A_329, %dma_start3A_330] : memref<1x256x256x256xf32, #tpu.memory_space<hbm>> -> memref<1x1x32x256xf32, #tpu.memory_space<hbm>>
    %dma_start3A_332 = tpu.memref_squeeze %dma_start3A_331 : memref<1x1x32x256xf32, #tpu.memory_space<hbm>> -> memref<32x256xf32, #tpu.memory_space<hbm>>
    %dma_start3A_333 = arith.constant 192 : i32
    %dma_start3A_334 = arith.constant 0 : i32
    %dma_start3A_335 = tpu.memref_slice %arg5[%dma_start3A_328, %add3A_327, %dma_start3A_333, %dma_start3A_334] : memref<1x256x256x256xf32, #tpu.memory_space<hbm>> -> memref<1x1x32x256xf32, #tpu.memory_space<hbm>>
    %dma_start3A_336 = tpu.memref_squeeze %dma_start3A_335 : memref<1x1x32x256xf32, #tpu.memory_space<hbm>> -> memref<32x256xf32, #tpu.memory_space<hbm>>
    tpu.enqueue_dma source(%arg16 : memref<32x256xf32, #tpu.memory_space<vmem>>) target(%dma_start3A_336 : memref<32x256xf32, #tpu.memory_space<hbm>>) target_semaphore(%arg23 : memref<!tpu.dma_semaphore, #tpu.memory_space<semaphore_mem>>)
    %add3A_337 = arith.constant 4 : i32
    %add3A_338 = arith.addi %mul3A_2, %add3A_337 : i32
    %dma_start3A_339 = arith.constant 0 : i32
    %dma_start3A_340 = arith.constant 192 : i32
    %dma_start3A_341 = arith.constant 0 : i32
    %dma_start3A_342 = tpu.memref_slice %arg5[%dma_start3A_339, %add3A_338, %dma_start3A_340, %dma_start3A_341] : memref<1x256x256x256xf32, #tpu.memory_space<hbm>> -> memref<1x1x32x256xf32, #tpu.memory_space<hbm>>
    %dma_start3A_343 = tpu.memref_squeeze %dma_start3A_342 : memref<1x1x32x256xf32, #tpu.memory_space<hbm>> -> memref<32x256xf32, #tpu.memory_space<hbm>>
    %dma_start3A_344 = arith.constant 192 : i32
    %dma_start3A_345 = arith.constant 0 : i32
    %dma_start3A_346 = tpu.memref_slice %arg5[%dma_start3A_339, %add3A_338, %dma_start3A_344, %dma_start3A_345] : memref<1x256x256x256xf32, #tpu.memory_space<hbm>> -> memref<1x1x32x256xf32, #tpu.memory_space<hbm>>
    %dma_start3A_347 = tpu.memref_squeeze %dma_start3A_346 : memref<1x1x32x256xf32, #tpu.memory_space<hbm>> -> memref<32x256xf32, #tpu.memory_space<hbm>>
    tpu.enqueue_dma source(%arg17 : memref<32x256xf32, #tpu.memory_space<vmem>>) target(%dma_start3A_347 : memref<32x256xf32, #tpu.memory_space<hbm>>) target_semaphore(%arg23 : memref<!tpu.dma_semaphore, #tpu.memory_space<semaphore_mem>>)
    %add3A_348 = arith.constant 5 : i32
    %add3A_349 = arith.addi %mul3A_2, %add3A_348 : i32
    %dma_start3A_350 = arith.constant 0 : i32
    %dma_start3A_351 = arith.constant 192 : i32
    %dma_start3A_352 = arith.constant 0 : i32
    %dma_start3A_353 = tpu.memref_slice %arg5[%dma_start3A_350, %add3A_349, %dma_start3A_351, %dma_start3A_352] : memref<1x256x256x256xf32, #tpu.memory_space<hbm>> -> memref<1x1x32x256xf32, #tpu.memory_space<hbm>>
    %dma_start3A_354 = tpu.memref_squeeze %dma_start3A_353 : memref<1x1x32x256xf32, #tpu.memory_space<hbm>> -> memref<32x256xf32, #tpu.memory_space<hbm>>
    %dma_start3A_355 = arith.constant 192 : i32
    %dma_start3A_356 = arith.constant 0 : i32
    %dma_start3A_357 = tpu.memref_slice %arg5[%dma_start3A_350, %add3A_349, %dma_start3A_355, %dma_start3A_356] : memref<1x256x256x256xf32, #tpu.memory_space<hbm>> -> memref<1x1x32x256xf32, #tpu.memory_space<hbm>>
    %dma_start3A_358 = tpu.memref_squeeze %dma_start3A_357 : memref<1x1x32x256xf32, #tpu.memory_space<hbm>> -> memref<32x256xf32, #tpu.memory_space<hbm>>
    tpu.enqueue_dma source(%arg18 : memref<32x256xf32, #tpu.memory_space<vmem>>) target(%dma_start3A_358 : memref<32x256xf32, #tpu.memory_space<hbm>>) target_semaphore(%arg23 : memref<!tpu.dma_semaphore, #tpu.memory_space<semaphore_mem>>)
    %add3A_359 = arith.constant 6 : i32
    %add3A_360 = arith.addi %mul3A_2, %add3A_359 : i32
    %dma_start3A_361 = arith.constant 0 : i32
    %dma_start3A_362 = arith.constant 192 : i32
    %dma_start3A_363 = arith.constant 0 : i32
    %dma_start3A_364 = tpu.memref_slice %arg5[%dma_start3A_361, %add3A_360, %dma_start3A_362, %dma_start3A_363] : memref<1x256x256x256xf32, #tpu.memory_space<hbm>> -> memref<1x1x32x256xf32, #tpu.memory_space<hbm>>
    %dma_start3A_365 = tpu.memref_squeeze %dma_start3A_364 : memref<1x1x32x256xf32, #tpu.memory_space<hbm>> -> memref<32x256xf32, #tpu.memory_space<hbm>>
    %dma_start3A_366 = arith.constant 192 : i32
    %dma_start3A_367 = arith.constant 0 : i32
    %dma_start3A_368 = tpu.memref_slice %arg5[%dma_start3A_361, %add3A_360, %dma_start3A_366, %dma_start3A_367] : memref<1x256x256x256xf32, #tpu.memory_space<hbm>> -> memref<1x1x32x256xf32, #tpu.memory_space<hbm>>
    %dma_start3A_369 = tpu.memref_squeeze %dma_start3A_368 : memref<1x1x32x256xf32, #tpu.memory_space<hbm>> -> memref<32x256xf32, #tpu.memory_space<hbm>>
    tpu.enqueue_dma source(%arg19 : memref<32x256xf32, #tpu.memory_space<vmem>>) target(%dma_start3A_369 : memref<32x256xf32, #tpu.memory_space<hbm>>) target_semaphore(%arg23 : memref<!tpu.dma_semaphore, #tpu.memory_space<semaphore_mem>>)
    %add3A_370 = arith.constant 7 : i32
    %add3A_371 = arith.addi %mul3A_2, %add3A_370 : i32
    %dma_start3A_372 = arith.constant 0 : i32
    %dma_start3A_373 = arith.constant 192 : i32
    %dma_start3A_374 = arith.constant 0 : i32
    %dma_start3A_375 = tpu.memref_slice %arg5[%dma_start3A_372, %add3A_371, %dma_start3A_373, %dma_start3A_374] : memref<1x256x256x256xf32, #tpu.memory_space<hbm>> -> memref<1x1x32x256xf32, #tpu.memory_space<hbm>>
    %dma_start3A_376 = tpu.memref_squeeze %dma_start3A_375 : memref<1x1x32x256xf32, #tpu.memory_space<hbm>> -> memref<32x256xf32, #tpu.memory_space<hbm>>
    %dma_start3A_377 = arith.constant 192 : i32
    %dma_start3A_378 = arith.constant 0 : i32
    %dma_start3A_379 = tpu.memref_slice %arg5[%dma_start3A_372, %add3A_371, %dma_start3A_377, %dma_start3A_378] : memref<1x256x256x256xf32, #tpu.memory_space<hbm>> -> memref<1x1x32x256xf32, #tpu.memory_space<hbm>>
    %dma_start3A_380 = tpu.memref_squeeze %dma_start3A_379 : memref<1x1x32x256xf32, #tpu.memory_space<hbm>> -> memref<32x256xf32, #tpu.memory_space<hbm>>
    tpu.enqueue_dma source(%arg20 : memref<32x256xf32, #tpu.memory_space<vmem>>) target(%dma_start3A_380 : memref<32x256xf32, #tpu.memory_space<hbm>>) target_semaphore(%arg23 : memref<!tpu.dma_semaphore, #tpu.memory_space<semaphore_mem>>)
    %add3A_381 = arith.constant 0 : i32
    %add3A_382 = arith.addi %mul3A_2, %add3A_381 : i32
    %dma_wait3A_383 = arith.constant 0 : i32
    %dma_wait3A_384 = arith.constant 224 : i32
    %dma_wait3A_385 = arith.constant 0 : i32
    %dma_wait3A_386 = tpu.memref_slice %arg5[%dma_wait3A_383, %add3A_382, %dma_wait3A_384, %dma_wait3A_385] : memref<1x256x256x256xf32, #tpu.memory_space<hbm>> -> memref<1x1x32x256xf32, #tpu.memory_space<hbm>>
    %dma_wait3A_387 = tpu.memref_squeeze %dma_wait3A_386 : memref<1x1x32x256xf32, #tpu.memory_space<hbm>> -> memref<32x256xf32, #tpu.memory_space<hbm>>
    %dma_wait3A_388 = arith.constant 224 : i32
    %dma_wait3A_389 = arith.constant 0 : i32
    %dma_wait3A_390 = tpu.memref_slice %arg5[%dma_wait3A_383, %add3A_382, %dma_wait3A_388, %dma_wait3A_389] : memref<1x256x256x256xf32, #tpu.memory_space<hbm>> -> memref<1x1x32x256xf32, #tpu.memory_space<hbm>>
    %dma_wait3A_391 = tpu.memref_squeeze %dma_wait3A_390 : memref<1x1x32x256xf32, #tpu.memory_space<hbm>> -> memref<32x256xf32, #tpu.memory_space<hbm>>
    tpu.wait_dma2 semaphore(%arg24 : memref<!tpu.dma_semaphore, #tpu.memory_space<semaphore_mem>>) src(%arg13 : memref<32x256xf32, #tpu.memory_space<vmem>>) dst(%dma_wait3A_391 : memref<32x256xf32, #tpu.memory_space<hbm>>)
    %add3A_392 = arith.constant 1 : i32
    %add3A_393 = arith.addi %mul3A_2, %add3A_392 : i32
    %dma_wait3A_394 = arith.constant 0 : i32
    %dma_wait3A_395 = arith.constant 224 : i32
    %dma_wait3A_396 = arith.constant 0 : i32
    %dma_wait3A_397 = tpu.memref_slice %arg5[%dma_wait3A_394, %add3A_393, %dma_wait3A_395, %dma_wait3A_396] : memref<1x256x256x256xf32, #tpu.memory_space<hbm>> -> memref<1x1x32x256xf32, #tpu.memory_space<hbm>>
    %dma_wait3A_398 = tpu.memref_squeeze %dma_wait3A_397 : memref<1x1x32x256xf32, #tpu.memory_space<hbm>> -> memref<32x256xf32, #tpu.memory_space<hbm>>
    %dma_wait3A_399 = arith.constant 224 : i32
    %dma_wait3A_400 = arith.constant 0 : i32
    %dma_wait3A_401 = tpu.memref_slice %arg5[%dma_wait3A_394, %add3A_393, %dma_wait3A_399, %dma_wait3A_400] : memref<1x256x256x256xf32, #tpu.memory_space<hbm>> -> memref<1x1x32x256xf32, #tpu.memory_space<hbm>>
    %dma_wait3A_402 = tpu.memref_squeeze %dma_wait3A_401 : memref<1x1x32x256xf32, #tpu.memory_space<hbm>> -> memref<32x256xf32, #tpu.memory_space<hbm>>
    tpu.wait_dma2 semaphore(%arg24 : memref<!tpu.dma_semaphore, #tpu.memory_space<semaphore_mem>>) src(%arg14 : memref<32x256xf32, #tpu.memory_space<vmem>>) dst(%dma_wait3A_402 : memref<32x256xf32, #tpu.memory_space<hbm>>)
    %add3A_403 = arith.constant 2 : i32
    %add3A_404 = arith.addi %mul3A_2, %add3A_403 : i32
    %dma_wait3A_405 = arith.constant 0 : i32
    %dma_wait3A_406 = arith.constant 224 : i32
    %dma_wait3A_407 = arith.constant 0 : i32
    %dma_wait3A_408 = tpu.memref_slice %arg5[%dma_wait3A_405, %add3A_404, %dma_wait3A_406, %dma_wait3A_407] : memref<1x256x256x256xf32, #tpu.memory_space<hbm>> -> memref<1x1x32x256xf32, #tpu.memory_space<hbm>>
    %dma_wait3A_409 = tpu.memref_squeeze %dma_wait3A_408 : memref<1x1x32x256xf32, #tpu.memory_space<hbm>> -> memref<32x256xf32, #tpu.memory_space<hbm>>
    %dma_wait3A_410 = arith.constant 224 : i32
    %dma_wait3A_411 = arith.constant 0 : i32
    %dma_wait3A_412 = tpu.memref_slice %arg5[%dma_wait3A_405, %add3A_404, %dma_wait3A_410, %dma_wait3A_411] : memref<1x256x256x256xf32, #tpu.memory_space<hbm>> -> memref<1x1x32x256xf32, #tpu.memory_space<hbm>>
    %dma_wait3A_413 = tpu.memref_squeeze %dma_wait3A_412 : memref<1x1x32x256xf32, #tpu.memory_space<hbm>> -> memref<32x256xf32, #tpu.memory_space<hbm>>
    tpu.wait_dma2 semaphore(%arg24 : memref<!tpu.dma_semaphore, #tpu.memory_space<semaphore_mem>>) src(%arg15 : memref<32x256xf32, #tpu.memory_space<vmem>>) dst(%dma_wait3A_413 : memref<32x256xf32, #tpu.memory_space<hbm>>)
    %add3A_414 = arith.constant 3 : i32
    %add3A_415 = arith.addi %mul3A_2, %add3A_414 : i32
    %dma_wait3A_416 = arith.constant 0 : i32
    %dma_wait3A_417 = arith.constant 224 : i32
    %dma_wait3A_418 = arith.constant 0 : i32
    %dma_wait3A_419 = tpu.memref_slice %arg5[%dma_wait3A_416, %add3A_415, %dma_wait3A_417, %dma_wait3A_418] : memref<1x256x256x256xf32, #tpu.memory_space<hbm>> -> memref<1x1x32x256xf32, #tpu.memory_space<hbm>>
    %dma_wait3A_420 = tpu.memref_squeeze %dma_wait3A_419 : memref<1x1x32x256xf32, #tpu.memory_space<hbm>> -> memref<32x256xf32, #tpu.memory_space<hbm>>
    %dma_wait3A_421 = arith.constant 224 : i32
    %dma_wait3A_422 = arith.constant 0 : i32
    %dma_wait3A_423 = tpu.memref_slice %arg5[%dma_wait3A_416, %add3A_415, %dma_wait3A_421, %dma_wait3A_422] : memref<1x256x256x256xf32, #tpu.memory_space<hbm>> -> memref<1x1x32x256xf32, #tpu.memory_space<hbm>>
    %dma_wait3A_424 = tpu.memref_squeeze %dma_wait3A_423 : memref<1x1x32x256xf32, #tpu.memory_space<hbm>> -> memref<32x256xf32, #tpu.memory_space<hbm>>
    tpu.wait_dma2 semaphore(%arg24 : memref<!tpu.dma_semaphore, #tpu.memory_space<semaphore_mem>>) src(%arg16 : memref<32x256xf32, #tpu.memory_space<vmem>>) dst(%dma_wait3A_424 : memref<32x256xf32, #tpu.memory_space<hbm>>)
    %add3A_425 = arith.constant 4 : i32
    %add3A_426 = arith.addi %mul3A_2, %add3A_425 : i32
    %dma_wait3A_427 = arith.constant 0 : i32
    %dma_wait3A_428 = arith.constant 224 : i32
    %dma_wait3A_429 = arith.constant 0 : i32
    %dma_wait3A_430 = tpu.memref_slice %arg5[%dma_wait3A_427, %add3A_426, %dma_wait3A_428, %dma_wait3A_429] : memref<1x256x256x256xf32, #tpu.memory_space<hbm>> -> memref<1x1x32x256xf32, #tpu.memory_space<hbm>>
    %dma_wait3A_431 = tpu.memref_squeeze %dma_wait3A_430 : memref<1x1x32x256xf32, #tpu.memory_space<hbm>> -> memref<32x256xf32, #tpu.memory_space<hbm>>
    %dma_wait3A_432 = arith.constant 224 : i32
    %dma_wait3A_433 = arith.constant 0 : i32
    %dma_wait3A_434 = tpu.memref_slice %arg5[%dma_wait3A_427, %add3A_426, %dma_wait3A_432, %dma_wait3A_433] : memref<1x256x256x256xf32, #tpu.memory_space<hbm>> -> memref<1x1x32x256xf32, #tpu.memory_space<hbm>>
    %dma_wait3A_435 = tpu.memref_squeeze %dma_wait3A_434 : memref<1x1x32x256xf32, #tpu.memory_space<hbm>> -> memref<32x256xf32, #tpu.memory_space<hbm>>
    tpu.wait_dma2 semaphore(%arg24 : memref<!tpu.dma_semaphore, #tpu.memory_space<semaphore_mem>>) src(%arg17 : memref<32x256xf32, #tpu.memory_space<vmem>>) dst(%dma_wait3A_435 : memref<32x256xf32, #tpu.memory_space<hbm>>)
    %add3A_436 = arith.constant 5 : i32
    %add3A_437 = arith.addi %mul3A_2, %add3A_436 : i32
    %dma_wait3A_438 = arith.constant 0 : i32
    %dma_wait3A_439 = arith.constant 224 : i32
    %dma_wait3A_440 = arith.constant 0 : i32
    %dma_wait3A_441 = tpu.memref_slice %arg5[%dma_wait3A_438, %add3A_437, %dma_wait3A_439, %dma_wait3A_440] : memref<1x256x256x256xf32, #tpu.memory_space<hbm>> -> memref<1x1x32x256xf32, #tpu.memory_space<hbm>>
    %dma_wait3A_442 = tpu.memref_squeeze %dma_wait3A_441 : memref<1x1x32x256xf32, #tpu.memory_space<hbm>> -> memref<32x256xf32, #tpu.memory_space<hbm>>
    %dma_wait3A_443 = arith.constant 224 : i32
    %dma_wait3A_444 = arith.constant 0 : i32
    %dma_wait3A_445 = tpu.memref_slice %arg5[%dma_wait3A_438, %add3A_437, %dma_wait3A_443, %dma_wait3A_444] : memref<1x256x256x256xf32, #tpu.memory_space<hbm>> -> memref<1x1x32x256xf32, #tpu.memory_space<hbm>>
    %dma_wait3A_446 = tpu.memref_squeeze %dma_wait3A_445 : memref<1x1x32x256xf32, #tpu.memory_space<hbm>> -> memref<32x256xf32, #tpu.memory_space<hbm>>
    tpu.wait_dma2 semaphore(%arg24 : memref<!tpu.dma_semaphore, #tpu.memory_space<semaphore_mem>>) src(%arg18 : memref<32x256xf32, #tpu.memory_space<vmem>>) dst(%dma_wait3A_446 : memref<32x256xf32, #tpu.memory_space<hbm>>)
    %add3A_447 = arith.constant 6 : i32
    %add3A_448 = arith.addi %mul3A_2, %add3A_447 : i32
    %dma_wait3A_449 = arith.constant 0 : i32
    %dma_wait3A_450 = arith.constant 224 : i32
    %dma_wait3A_451 = arith.constant 0 : i32
    %dma_wait3A_452 = tpu.memref_slice %arg5[%dma_wait3A_449, %add3A_448, %dma_wait3A_450, %dma_wait3A_451] : memref<1x256x256x256xf32, #tpu.memory_space<hbm>> -> memref<1x1x32x256xf32, #tpu.memory_space<hbm>>
    %dma_wait3A_453 = tpu.memref_squeeze %dma_wait3A_452 : memref<1x1x32x256xf32, #tpu.memory_space<hbm>> -> memref<32x256xf32, #tpu.memory_space<hbm>>
    %dma_wait3A_454 = arith.constant 224 : i32
    %dma_wait3A_455 = arith.constant 0 : i32
    %dma_wait3A_456 = tpu.memref_slice %arg5[%dma_wait3A_449, %add3A_448, %dma_wait3A_454, %dma_wait3A_455] : memref<1x256x256x256xf32, #tpu.memory_space<hbm>> -> memref<1x1x32x256xf32, #tpu.memory_space<hbm>>
    %dma_wait3A_457 = tpu.memref_squeeze %dma_wait3A_456 : memref<1x1x32x256xf32, #tpu.memory_space<hbm>> -> memref<32x256xf32, #tpu.memory_space<hbm>>
    tpu.wait_dma2 semaphore(%arg24 : memref<!tpu.dma_semaphore, #tpu.memory_space<semaphore_mem>>) src(%arg19 : memref<32x256xf32, #tpu.memory_space<vmem>>) dst(%dma_wait3A_457 : memref<32x256xf32, #tpu.memory_space<hbm>>)
    %add3A_458 = arith.constant 7 : i32
    %add3A_459 = arith.addi %mul3A_2, %add3A_458 : i32
    %dma_wait3A_460 = arith.constant 0 : i32
    %dma_wait3A_461 = arith.constant 224 : i32
    %dma_wait3A_462 = arith.constant 0 : i32
    %dma_wait3A_463 = tpu.memref_slice %arg5[%dma_wait3A_460, %add3A_459, %dma_wait3A_461, %dma_wait3A_462] : memref<1x256x256x256xf32, #tpu.memory_space<hbm>> -> memref<1x1x32x256xf32, #tpu.memory_space<hbm>>
    %dma_wait3A_464 = tpu.memref_squeeze %dma_wait3A_463 : memref<1x1x32x256xf32, #tpu.memory_space<hbm>> -> memref<32x256xf32, #tpu.memory_space<hbm>>
    %dma_wait3A_465 = arith.constant 224 : i32
    %dma_wait3A_466 = arith.constant 0 : i32
    %dma_wait3A_467 = tpu.memref_slice %arg5[%dma_wait3A_460, %add3A_459, %dma_wait3A_465, %dma_wait3A_466] : memref<1x256x256x256xf32, #tpu.memory_space<hbm>> -> memref<1x1x32x256xf32, #tpu.memory_space<hbm>>
    %dma_wait3A_468 = tpu.memref_squeeze %dma_wait3A_467 : memref<1x1x32x256xf32, #tpu.memory_space<hbm>> -> memref<32x256xf32, #tpu.memory_space<hbm>>
    tpu.wait_dma2 semaphore(%arg24 : memref<!tpu.dma_semaphore, #tpu.memory_space<semaphore_mem>>) src(%arg20 : memref<32x256xf32, #tpu.memory_space<vmem>>) dst(%dma_wait3A_468 : memref<32x256xf32, #tpu.memory_space<hbm>>)
    %add3A_469 = arith.constant 0 : i32
    %add3A_470 = arith.addi %mul3A_2, %add3A_469 : i32
    %dma_start3A_471 = arith.constant 0 : i32
    %dma_start3A_472 = arith.constant 224 : i32
    %dma_start3A_473 = arith.constant 0 : i32
    %dma_start3A_474 = tpu.memref_slice %arg5[%dma_start3A_471, %add3A_470, %dma_start3A_472, %dma_start3A_473] : memref<1x256x256x256xf32, #tpu.memory_space<hbm>> -> memref<1x1x32x256xf32, #tpu.memory_space<hbm>>
    %dma_start3A_475 = tpu.memref_squeeze %dma_start3A_474 : memref<1x1x32x256xf32, #tpu.memory_space<hbm>> -> memref<32x256xf32, #tpu.memory_space<hbm>>
    %dma_start3A_476 = arith.constant 224 : i32
    %dma_start3A_477 = arith.constant 0 : i32
    %dma_start3A_478 = tpu.memref_slice %arg5[%dma_start3A_471, %add3A_470, %dma_start3A_476, %dma_start3A_477] : memref<1x256x256x256xf32, #tpu.memory_space<hbm>> -> memref<1x1x32x256xf32, #tpu.memory_space<hbm>>
    %dma_start3A_479 = tpu.memref_squeeze %dma_start3A_478 : memref<1x1x32x256xf32, #tpu.memory_space<hbm>> -> memref<32x256xf32, #tpu.memory_space<hbm>>
    tpu.enqueue_dma source(%arg13 : memref<32x256xf32, #tpu.memory_space<vmem>>) target(%dma_start3A_479 : memref<32x256xf32, #tpu.memory_space<hbm>>) target_semaphore(%arg24 : memref<!tpu.dma_semaphore, #tpu.memory_space<semaphore_mem>>)
    %add3A_480 = arith.constant 1 : i32
    %add3A_481 = arith.addi %mul3A_2, %add3A_480 : i32
    %dma_start3A_482 = arith.constant 0 : i32
    %dma_start3A_483 = arith.constant 224 : i32
    %dma_start3A_484 = arith.constant 0 : i32
    %dma_start3A_485 = tpu.memref_slice %arg5[%dma_start3A_482, %add3A_481, %dma_start3A_483, %dma_start3A_484] : memref<1x256x256x256xf32, #tpu.memory_space<hbm>> -> memref<1x1x32x256xf32, #tpu.memory_space<hbm>>
    %dma_start3A_486 = tpu.memref_squeeze %dma_start3A_485 : memref<1x1x32x256xf32, #tpu.memory_space<hbm>> -> memref<32x256xf32, #tpu.memory_space<hbm>>
    %dma_start3A_487 = arith.constant 224 : i32
    %dma_start3A_488 = arith.constant 0 : i32
    %dma_start3A_489 = tpu.memref_slice %arg5[%dma_start3A_482, %add3A_481, %dma_start3A_487, %dma_start3A_488] : memref<1x256x256x256xf32, #tpu.memory_space<hbm>> -> memref<1x1x32x256xf32, #tpu.memory_space<hbm>>
    %dma_start3A_490 = tpu.memref_squeeze %dma_start3A_489 : memref<1x1x32x256xf32, #tpu.memory_space<hbm>> -> memref<32x256xf32, #tpu.memory_space<hbm>>
    tpu.enqueue_dma source(%arg14 : memref<32x256xf32, #tpu.memory_space<vmem>>) target(%dma_start3A_490 : memref<32x256xf32, #tpu.memory_space<hbm>>) target_semaphore(%arg24 : memref<!tpu.dma_semaphore, #tpu.memory_space<semaphore_mem>>)
    %add3A_491 = arith.constant 2 : i32
    %add3A_492 = arith.addi %mul3A_2, %add3A_491 : i32
    %dma_start3A_493 = arith.constant 0 : i32
    %dma_start3A_494 = arith.constant 224 : i32
    %dma_start3A_495 = arith.constant 0 : i32
    %dma_start3A_496 = tpu.memref_slice %arg5[%dma_start3A_493, %add3A_492, %dma_start3A_494, %dma_start3A_495] : memref<1x256x256x256xf32, #tpu.memory_space<hbm>> -> memref<1x1x32x256xf32, #tpu.memory_space<hbm>>
    %dma_start3A_497 = tpu.memref_squeeze %dma_start3A_496 : memref<1x1x32x256xf32, #tpu.memory_space<hbm>> -> memref<32x256xf32, #tpu.memory_space<hbm>>
    %dma_start3A_498 = arith.constant 224 : i32
    %dma_start3A_499 = arith.constant 0 : i32
    %dma_start3A_500 = tpu.memref_slice %arg5[%dma_start3A_493, %add3A_492, %dma_start3A_498, %dma_start3A_499] : memref<1x256x256x256xf32, #tpu.memory_space<hbm>> -> memref<1x1x32x256xf32, #tpu.memory_space<hbm>>
    %dma_start3A_501 = tpu.memref_squeeze %dma_start3A_500 : memref<1x1x32x256xf32, #tpu.memory_space<hbm>> -> memref<32x256xf32, #tpu.memory_space<hbm>>
    tpu.enqueue_dma source(%arg15 : memref<32x256xf32, #tpu.memory_space<vmem>>) target(%dma_start3A_501 : memref<32x256xf32, #tpu.memory_space<hbm>>) target_semaphore(%arg24 : memref<!tpu.dma_semaphore, #tpu.memory_space<semaphore_mem>>)
    %add3A_502 = arith.constant 3 : i32
    %add3A_503 = arith.addi %mul3A_2, %add3A_502 : i32
    %dma_start3A_504 = arith.constant 0 : i32
    %dma_start3A_505 = arith.constant 224 : i32
    %dma_start3A_506 = arith.constant 0 : i32
    %dma_start3A_507 = tpu.memref_slice %arg5[%dma_start3A_504, %add3A_503, %dma_start3A_505, %dma_start3A_506] : memref<1x256x256x256xf32, #tpu.memory_space<hbm>> -> memref<1x1x32x256xf32, #tpu.memory_space<hbm>>
    %dma_start3A_508 = tpu.memref_squeeze %dma_start3A_507 : memref<1x1x32x256xf32, #tpu.memory_space<hbm>> -> memref<32x256xf32, #tpu.memory_space<hbm>>
    %dma_start3A_509 = arith.constant 224 : i32
    %dma_start3A_510 = arith.constant 0 : i32
    %dma_start3A_511 = tpu.memref_slice %arg5[%dma_start3A_504, %add3A_503, %dma_start3A_509, %dma_start3A_510] : memref<1x256x256x256xf32, #tpu.memory_space<hbm>> -> memref<1x1x32x256xf32, #tpu.memory_space<hbm>>
    %dma_start3A_512 = tpu.memref_squeeze %dma_start3A_511 : memref<1x1x32x256xf32, #tpu.memory_space<hbm>> -> memref<32x256xf32, #tpu.memory_space<hbm>>
    tpu.enqueue_dma source(%arg16 : memref<32x256xf32, #tpu.memory_space<vmem>>) target(%dma_start3A_512 : memref<32x256xf32, #tpu.memory_space<hbm>>) target_semaphore(%arg24 : memref<!tpu.dma_semaphore, #tpu.memory_space<semaphore_mem>>)
    %add3A_513 = arith.constant 4 : i32
    %add3A_514 = arith.addi %mul3A_2, %add3A_513 : i32
    %dma_start3A_515 = arith.constant 0 : i32
    %dma_start3A_516 = arith.constant 224 : i32
    %dma_start3A_517 = arith.constant 0 : i32
    %dma_start3A_518 = tpu.memref_slice %arg5[%dma_start3A_515, %add3A_514, %dma_start3A_516, %dma_start3A_517] : memref<1x256x256x256xf32, #tpu.memory_space<hbm>> -> memref<1x1x32x256xf32, #tpu.memory_space<hbm>>
    %dma_start3A_519 = tpu.memref_squeeze %dma_start3A_518 : memref<1x1x32x256xf32, #tpu.memory_space<hbm>> -> memref<32x256xf32, #tpu.memory_space<hbm>>
    %dma_start3A_520 = arith.constant 224 : i32
    %dma_start3A_521 = arith.constant 0 : i32
    %dma_start3A_522 = tpu.memref_slice %arg5[%dma_start3A_515, %add3A_514, %dma_start3A_520, %dma_start3A_521] : memref<1x256x256x256xf32, #tpu.memory_space<hbm>> -> memref<1x1x32x256xf32, #tpu.memory_space<hbm>>
    %dma_start3A_523 = tpu.memref_squeeze %dma_start3A_522 : memref<1x1x32x256xf32, #tpu.memory_space<hbm>> -> memref<32x256xf32, #tpu.memory_space<hbm>>
    tpu.enqueue_dma source(%arg17 : memref<32x256xf32, #tpu.memory_space<vmem>>) target(%dma_start3A_523 : memref<32x256xf32, #tpu.memory_space<hbm>>) target_semaphore(%arg24 : memref<!tpu.dma_semaphore, #tpu.memory_space<semaphore_mem>>)
    %add3A_524 = arith.constant 5 : i32
    %add3A_525 = arith.addi %mul3A_2, %add3A_524 : i32
    %dma_start3A_526 = arith.constant 0 : i32
    %dma_start3A_527 = arith.constant 224 : i32
    %dma_start3A_528 = arith.constant 0 : i32
    %dma_start3A_529 = tpu.memref_slice %arg5[%dma_start3A_526, %add3A_525, %dma_start3A_527, %dma_start3A_528] : memref<1x256x256x256xf32, #tpu.memory_space<hbm>> -> memref<1x1x32x256xf32, #tpu.memory_space<hbm>>
    %dma_start3A_530 = tpu.memref_squeeze %dma_start3A_529 : memref<1x1x32x256xf32, #tpu.memory_space<hbm>> -> memref<32x256xf32, #tpu.memory_space<hbm>>
    %dma_start3A_531 = arith.constant 224 : i32
    %dma_start3A_532 = arith.constant 0 : i32
    %dma_start3A_533 = tpu.memref_slice %arg5[%dma_start3A_526, %add3A_525, %dma_start3A_531, %dma_start3A_532] : memref<1x256x256x256xf32, #tpu.memory_space<hbm>> -> memref<1x1x32x256xf32, #tpu.memory_space<hbm>>
    %dma_start3A_534 = tpu.memref_squeeze %dma_start3A_533 : memref<1x1x32x256xf32, #tpu.memory_space<hbm>> -> memref<32x256xf32, #tpu.memory_space<hbm>>
    tpu.enqueue_dma source(%arg18 : memref<32x256xf32, #tpu.memory_space<vmem>>) target(%dma_start3A_534 : memref<32x256xf32, #tpu.memory_space<hbm>>) target_semaphore(%arg24 : memref<!tpu.dma_semaphore, #tpu.memory_space<semaphore_mem>>)
    %add3A_535 = arith.constant 6 : i32
    %add3A_536 = arith.addi %mul3A_2, %add3A_535 : i32
    %dma_start3A_537 = arith.constant 0 : i32
    %dma_start3A_538 = arith.constant 224 : i32
    %dma_start3A_539 = arith.constant 0 : i32
    %dma_start3A_540 = tpu.memref_slice %arg5[%dma_start3A_537, %add3A_536, %dma_start3A_538, %dma_start3A_539] : memref<1x256x256x256xf32, #tpu.memory_space<hbm>> -> memref<1x1x32x256xf32, #tpu.memory_space<hbm>>
    %dma_start3A_541 = tpu.memref_squeeze %dma_start3A_540 : memref<1x1x32x256xf32, #tpu.memory_space<hbm>> -> memref<32x256xf32, #tpu.memory_space<hbm>>
    %dma_start3A_542 = arith.constant 224 : i32
    %dma_start3A_543 = arith.constant 0 : i32
    %dma_start3A_544 = tpu.memref_slice %arg5[%dma_start3A_537, %add3A_536, %dma_start3A_542, %dma_start3A_543] : memref<1x256x256x256xf32, #tpu.memory_space<hbm>> -> memref<1x1x32x256xf32, #tpu.memory_space<hbm>>
    %dma_start3A_545 = tpu.memref_squeeze %dma_start3A_544 : memref<1x1x32x256xf32, #tpu.memory_space<hbm>> -> memref<32x256xf32, #tpu.memory_space<hbm>>
    tpu.enqueue_dma source(%arg19 : memref<32x256xf32, #tpu.memory_space<vmem>>) target(%dma_start3A_545 : memref<32x256xf32, #tpu.memory_space<hbm>>) target_semaphore(%arg24 : memref<!tpu.dma_semaphore, #tpu.memory_space<semaphore_mem>>)
    %add3A_546 = arith.constant 7 : i32
    %add3A_547 = arith.addi %mul3A_2, %add3A_546 : i32
    %dma_start3A_548 = arith.constant 0 : i32
    %dma_start3A_549 = arith.constant 224 : i32
    %dma_start3A_550 = arith.constant 0 : i32
    %dma_start3A_551 = tpu.memref_slice %arg5[%dma_start3A_548, %add3A_547, %dma_start3A_549, %dma_start3A_550] : memref<1x256x256x256xf32, #tpu.memory_space<hbm>> -> memref<1x1x32x256xf32, #tpu.memory_space<hbm>>
    %dma_start3A_552 = tpu.memref_squeeze %dma_start3A_551 : memref<1x1x32x256xf32, #tpu.memory_space<hbm>> -> memref<32x256xf32, #tpu.memory_space<hbm>>
    %dma_start3A_553 = arith.constant 224 : i32
    %dma_start3A_554 = arith.constant 0 : i32
    %dma_start3A_555 = tpu.memref_slice %arg5[%dma_start3A_548, %add3A_547, %dma_start3A_553, %dma_start3A_554] : memref<1x256x256x256xf32, #tpu.memory_space<hbm>> -> memref<1x1x32x256xf32, #tpu.memory_space<hbm>>
    %dma_start3A_556 = tpu.memref_squeeze %dma_start3A_555 : memref<1x1x32x256xf32, #tpu.memory_space<hbm>> -> memref<32x256xf32, #tpu.memory_space<hbm>>
    tpu.enqueue_dma source(%arg20 : memref<32x256xf32, #tpu.memory_space<vmem>>) target(%dma_start3A_556 : memref<32x256xf32, #tpu.memory_space<hbm>>) target_semaphore(%arg24 : memref<!tpu.dma_semaphore, #tpu.memory_space<semaphore_mem>>)
    %add3A_557 = arith.constant 0 : i32
    %add3A_558 = arith.addi %mul3A_2, %add3A_557 : i32
    %dma_wait3A_559 = arith.constant 0 : i32
    %dma_wait3A_560 = arith.constant 192 : i32
    %dma_wait3A_561 = arith.constant 0 : i32
    %dma_wait3A_562 = tpu.memref_slice %arg5[%dma_wait3A_559, %add3A_558, %dma_wait3A_560, %dma_wait3A_561] : memref<1x256x256x256xf32, #tpu.memory_space<hbm>> -> memref<1x1x32x256xf32, #tpu.memory_space<hbm>>
    %dma_wait3A_563 = tpu.memref_squeeze %dma_wait3A_562 : memref<1x1x32x256xf32, #tpu.memory_space<hbm>> -> memref<32x256xf32, #tpu.memory_space<hbm>>
    %dma_wait3A_564 = arith.constant 192 : i32
    %dma_wait3A_565 = arith.constant 0 : i32
    %dma_wait3A_566 = tpu.memref_slice %arg5[%dma_wait3A_559, %add3A_558, %dma_wait3A_564, %dma_wait3A_565] : memref<1x256x256x256xf32, #tpu.memory_space<hbm>> -> memref<1x1x32x256xf32, #tpu.memory_space<hbm>>
    %dma_wait3A_567 = tpu.memref_squeeze %dma_wait3A_566 : memref<1x1x32x256xf32, #tpu.memory_space<hbm>> -> memref<32x256xf32, #tpu.memory_space<hbm>>
    tpu.wait_dma2 semaphore(%arg23 : memref<!tpu.dma_semaphore, #tpu.memory_space<semaphore_mem>>) src(%arg13 : memref<32x256xf32, #tpu.memory_space<vmem>>) dst(%dma_wait3A_567 : memref<32x256xf32, #tpu.memory_space<hbm>>)
    %add3A_568 = arith.constant 1 : i32
    %add3A_569 = arith.addi %mul3A_2, %add3A_568 : i32
    %dma_wait3A_570 = arith.constant 0 : i32
    %dma_wait3A_571 = arith.constant 192 : i32
    %dma_wait3A_572 = arith.constant 0 : i32
    %dma_wait3A_573 = tpu.memref_slice %arg5[%dma_wait3A_570, %add3A_569, %dma_wait3A_571, %dma_wait3A_572] : memref<1x256x256x256xf32, #tpu.memory_space<hbm>> -> memref<1x1x32x256xf32, #tpu.memory_space<hbm>>
    %dma_wait3A_574 = tpu.memref_squeeze %dma_wait3A_573 : memref<1x1x32x256xf32, #tpu.memory_space<hbm>> -> memref<32x256xf32, #tpu.memory_space<hbm>>
    %dma_wait3A_575 = arith.constant 192 : i32
    %dma_wait3A_576 = arith.constant 0 : i32
    %dma_wait3A_577 = tpu.memref_slice %arg5[%dma_wait3A_570, %add3A_569, %dma_wait3A_575, %dma_wait3A_576] : memref<1x256x256x256xf32, #tpu.memory_space<hbm>> -> memref<1x1x32x256xf32, #tpu.memory_space<hbm>>
    %dma_wait3A_578 = tpu.memref_squeeze %dma_wait3A_577 : memref<1x1x32x256xf32, #tpu.memory_space<hbm>> -> memref<32x256xf32, #tpu.memory_space<hbm>>
    tpu.wait_dma2 semaphore(%arg23 : memref<!tpu.dma_semaphore, #tpu.memory_space<semaphore_mem>>) src(%arg14 : memref<32x256xf32, #tpu.memory_space<vmem>>) dst(%dma_wait3A_578 : memref<32x256xf32, #tpu.memory_space<hbm>>)
    %add3A_579 = arith.constant 2 : i32
    %add3A_580 = arith.addi %mul3A_2, %add3A_579 : i32
    %dma_wait3A_581 = arith.constant 0 : i32
    %dma_wait3A_582 = arith.constant 192 : i32
    %dma_wait3A_583 = arith.constant 0 : i32
    %dma_wait3A_584 = tpu.memref_slice %arg5[%dma_wait3A_581, %add3A_580, %dma_wait3A_582, %dma_wait3A_583] : memref<1x256x256x256xf32, #tpu.memory_space<hbm>> -> memref<1x1x32x256xf32, #tpu.memory_space<hbm>>
    %dma_wait3A_585 = tpu.memref_squeeze %dma_wait3A_584 : memref<1x1x32x256xf32, #tpu.memory_space<hbm>> -> memref<32x256xf32, #tpu.memory_space<hbm>>
    %dma_wait3A_586 = arith.constant 192 : i32
    %dma_wait3A_587 = arith.constant 0 : i32
    %dma_wait3A_588 = tpu.memref_slice %arg5[%dma_wait3A_581, %add3A_580, %dma_wait3A_586, %dma_wait3A_587] : memref<1x256x256x256xf32, #tpu.memory_space<hbm>> -> memref<1x1x32x256xf32, #tpu.memory_space<hbm>>
    %dma_wait3A_589 = tpu.memref_squeeze %dma_wait3A_588 : memref<1x1x32x256xf32, #tpu.memory_space<hbm>> -> memref<32x256xf32, #tpu.memory_space<hbm>>
    tpu.wait_dma2 semaphore(%arg23 : memref<!tpu.dma_semaphore, #tpu.memory_space<semaphore_mem>>) src(%arg15 : memref<32x256xf32, #tpu.memory_space<vmem>>) dst(%dma_wait3A_589 : memref<32x256xf32, #tpu.memory_space<hbm>>)
    %add3A_590 = arith.constant 3 : i32
    %add3A_591 = arith.addi %mul3A_2, %add3A_590 : i32
    %dma_wait3A_592 = arith.constant 0 : i32
    %dma_wait3A_593 = arith.constant 192 : i32
    %dma_wait3A_594 = arith.constant 0 : i32
    %dma_wait3A_595 = tpu.memref_slice %arg5[%dma_wait3A_592, %add3A_591, %dma_wait3A_593, %dma_wait3A_594] : memref<1x256x256x256xf32, #tpu.memory_space<hbm>> -> memref<1x1x32x256xf32, #tpu.memory_space<hbm>>
    %dma_wait3A_596 = tpu.memref_squeeze %dma_wait3A_595 : memref<1x1x32x256xf32, #tpu.memory_space<hbm>> -> memref<32x256xf32, #tpu.memory_space<hbm>>
    %dma_wait3A_597 = arith.constant 192 : i32
    %dma_wait3A_598 = arith.constant 0 : i32
    %dma_wait3A_599 = tpu.memref_slice %arg5[%dma_wait3A_592, %add3A_591, %dma_wait3A_597, %dma_wait3A_598] : memref<1x256x256x256xf32, #tpu.memory_space<hbm>> -> memref<1x1x32x256xf32, #tpu.memory_space<hbm>>
    %dma_wait3A_600 = tpu.memref_squeeze %dma_wait3A_599 : memref<1x1x32x256xf32, #tpu.memory_space<hbm>> -> memref<32x256xf32, #tpu.memory_space<hbm>>
    tpu.wait_dma2 semaphore(%arg23 : memref<!tpu.dma_semaphore, #tpu.memory_space<semaphore_mem>>) src(%arg16 : memref<32x256xf32, #tpu.memory_space<vmem>>) dst(%dma_wait3A_600 : memref<32x256xf32, #tpu.memory_space<hbm>>)
    %add3A_601 = arith.constant 4 : i32
    %add3A_602 = arith.addi %mul3A_2, %add3A_601 : i32
    %dma_wait3A_603 = arith.constant 0 : i32
    %dma_wait3A_604 = arith.constant 192 : i32
    %dma_wait3A_605 = arith.constant 0 : i32
    %dma_wait3A_606 = tpu.memref_slice %arg5[%dma_wait3A_603, %add3A_602, %dma_wait3A_604, %dma_wait3A_605] : memref<1x256x256x256xf32, #tpu.memory_space<hbm>> -> memref<1x1x32x256xf32, #tpu.memory_space<hbm>>
    %dma_wait3A_607 = tpu.memref_squeeze %dma_wait3A_606 : memref<1x1x32x256xf32, #tpu.memory_space<hbm>> -> memref<32x256xf32, #tpu.memory_space<hbm>>
    %dma_wait3A_608 = arith.constant 192 : i32
    %dma_wait3A_609 = arith.constant 0 : i32
    %dma_wait3A_610 = tpu.memref_slice %arg5[%dma_wait3A_603, %add3A_602, %dma_wait3A_608, %dma_wait3A_609] : memref<1x256x256x256xf32, #tpu.memory_space<hbm>> -> memref<1x1x32x256xf32, #tpu.memory_space<hbm>>
    %dma_wait3A_611 = tpu.memref_squeeze %dma_wait3A_610 : memref<1x1x32x256xf32, #tpu.memory_space<hbm>> -> memref<32x256xf32, #tpu.memory_space<hbm>>
    tpu.wait_dma2 semaphore(%arg23 : memref<!tpu.dma_semaphore, #tpu.memory_space<semaphore_mem>>) src(%arg17 : memref<32x256xf32, #tpu.memory_space<vmem>>) dst(%dma_wait3A_611 : memref<32x256xf32, #tpu.memory_space<hbm>>)
    %add3A_612 = arith.constant 5 : i32
    %add3A_613 = arith.addi %mul3A_2, %add3A_612 : i32
    %dma_wait3A_614 = arith.constant 0 : i32
    %dma_wait3A_615 = arith.constant 192 : i32
    %dma_wait3A_616 = arith.constant 0 : i32
    %dma_wait3A_617 = tpu.memref_slice %arg5[%dma_wait3A_614, %add3A_613, %dma_wait3A_615, %dma_wait3A_616] : memref<1x256x256x256xf32, #tpu.memory_space<hbm>> -> memref<1x1x32x256xf32, #tpu.memory_space<hbm>>
    %dma_wait3A_618 = tpu.memref_squeeze %dma_wait3A_617 : memref<1x1x32x256xf32, #tpu.memory_space<hbm>> -> memref<32x256xf32, #tpu.memory_space<hbm>>
    %dma_wait3A_619 = arith.constant 192 : i32
    %dma_wait3A_620 = arith.constant 0 : i32
    %dma_wait3A_621 = tpu.memref_slice %arg5[%dma_wait3A_614, %add3A_613, %dma_wait3A_619, %dma_wait3A_620] : memref<1x256x256x256xf32, #tpu.memory_space<hbm>> -> memref<1x1x32x256xf32, #tpu.memory_space<hbm>>
    %dma_wait3A_622 = tpu.memref_squeeze %dma_wait3A_621 : memref<1x1x32x256xf32, #tpu.memory_space<hbm>> -> memref<32x256xf32, #tpu.memory_space<hbm>>
    tpu.wait_dma2 semaphore(%arg23 : memref<!tpu.dma_semaphore, #tpu.memory_space<semaphore_mem>>) src(%arg18 : memref<32x256xf32, #tpu.memory_space<vmem>>) dst(%dma_wait3A_622 : memref<32x256xf32, #tpu.memory_space<hbm>>)
    %add3A_623 = arith.constant 6 : i32
    %add3A_624 = arith.addi %mul3A_2, %add3A_623 : i32
    %dma_wait3A_625 = arith.constant 0 : i32
    %dma_wait3A_626 = arith.constant 192 : i32
    %dma_wait3A_627 = arith.constant 0 : i32
    %dma_wait3A_628 = tpu.memref_slice %arg5[%dma_wait3A_625, %add3A_624, %dma_wait3A_626, %dma_wait3A_627] : memref<1x256x256x256xf32, #tpu.memory_space<hbm>> -> memref<1x1x32x256xf32, #tpu.memory_space<hbm>>
    %dma_wait3A_629 = tpu.memref_squeeze %dma_wait3A_628 : memref<1x1x32x256xf32, #tpu.memory_space<hbm>> -> memref<32x256xf32, #tpu.memory_space<hbm>>
    %dma_wait3A_630 = arith.constant 192 : i32
    %dma_wait3A_631 = arith.constant 0 : i32
    %dma_wait3A_632 = tpu.memref_slice %arg5[%dma_wait3A_625, %add3A_624, %dma_wait3A_630, %dma_wait3A_631] : memref<1x256x256x256xf32, #tpu.memory_space<hbm>> -> memref<1x1x32x256xf32, #tpu.memory_space<hbm>>
    %dma_wait3A_633 = tpu.memref_squeeze %dma_wait3A_632 : memref<1x1x32x256xf32, #tpu.memory_space<hbm>> -> memref<32x256xf32, #tpu.memory_space<hbm>>
    tpu.wait_dma2 semaphore(%arg23 : memref<!tpu.dma_semaphore, #tpu.memory_space<semaphore_mem>>) src(%arg19 : memref<32x256xf32, #tpu.memory_space<vmem>>) dst(%dma_wait3A_633 : memref<32x256xf32, #tpu.memory_space<hbm>>)
    %add3A_634 = arith.constant 7 : i32
    %add3A_635 = arith.addi %mul3A_2, %add3A_634 : i32
    %dma_wait3A_636 = arith.constant 0 : i32
    %dma_wait3A_637 = arith.constant 192 : i32
    %dma_wait3A_638 = arith.constant 0 : i32
    %dma_wait3A_639 = tpu.memref_slice %arg5[%dma_wait3A_636, %add3A_635, %dma_wait3A_637, %dma_wait3A_638] : memref<1x256x256x256xf32, #tpu.memory_space<hbm>> -> memref<1x1x32x256xf32, #tpu.memory_space<hbm>>
    %dma_wait3A_640 = tpu.memref_squeeze %dma_wait3A_639 : memref<1x1x32x256xf32, #tpu.memory_space<hbm>> -> memref<32x256xf32, #tpu.memory_space<hbm>>
    %dma_wait3A_641 = arith.constant 192 : i32
    %dma_wait3A_642 = arith.constant 0 : i32
    %dma_wait3A_643 = tpu.memref_slice %arg5[%dma_wait3A_636, %add3A_635, %dma_wait3A_641, %dma_wait3A_642] : memref<1x256x256x256xf32, #tpu.memory_space<hbm>> -> memref<1x1x32x256xf32, #tpu.memory_space<hbm>>
    %dma_wait3A_644 = tpu.memref_squeeze %dma_wait3A_643 : memref<1x1x32x256xf32, #tpu.memory_space<hbm>> -> memref<32x256xf32, #tpu.memory_space<hbm>>
    tpu.wait_dma2 semaphore(%arg23 : memref<!tpu.dma_semaphore, #tpu.memory_space<semaphore_mem>>) src(%arg20 : memref<32x256xf32, #tpu.memory_space<vmem>>) dst(%dma_wait3A_644 : memref<32x256xf32, #tpu.memory_space<hbm>>)
    %add3A_645 = arith.constant 0 : i32
    %add3A_646 = arith.addi %mul3A_2, %add3A_645 : i32
    %dma_wait3A_647 = arith.constant 0 : i32
    %dma_wait3A_648 = arith.constant 224 : i32
    %dma_wait3A_649 = arith.constant 0 : i32
    %dma_wait3A_650 = tpu.memref_slice %arg5[%dma_wait3A_647, %add3A_646, %dma_wait3A_648, %dma_wait3A_649] : memref<1x256x256x256xf32, #tpu.memory_space<hbm>> -> memref<1x1x32x256xf32, #tpu.memory_space<hbm>>
    %dma_wait3A_651 = tpu.memref_squeeze %dma_wait3A_650 : memref<1x1x32x256xf32, #tpu.memory_space<hbm>> -> memref<32x256xf32, #tpu.memory_space<hbm>>
    %dma_wait3A_652 = arith.constant 224 : i32
    %dma_wait3A_653 = arith.constant 0 : i32
    %dma_wait3A_654 = tpu.memref_slice %arg5[%dma_wait3A_647, %add3A_646, %dma_wait3A_652, %dma_wait3A_653] : memref<1x256x256x256xf32, #tpu.memory_space<hbm>> -> memref<1x1x32x256xf32, #tpu.memory_space<hbm>>
    %dma_wait3A_655 = tpu.memref_squeeze %dma_wait3A_654 : memref<1x1x32x256xf32, #tpu.memory_space<hbm>> -> memref<32x256xf32, #tpu.memory_space<hbm>>
    tpu.wait_dma2 semaphore(%arg24 : memref<!tpu.dma_semaphore, #tpu.memory_space<semaphore_mem>>) src(%arg13 : memref<32x256xf32, #tpu.memory_space<vmem>>) dst(%dma_wait3A_655 : memref<32x256xf32, #tpu.memory_space<hbm>>)
    %add3A_656 = arith.constant 1 : i32
    %add3A_657 = arith.addi %mul3A_2, %add3A_656 : i32
    %dma_wait3A_658 = arith.constant 0 : i32
    %dma_wait3A_659 = arith.constant 224 : i32
    %dma_wait3A_660 = arith.constant 0 : i32
    %dma_wait3A_661 = tpu.memref_slice %arg5[%dma_wait3A_658, %add3A_657, %dma_wait3A_659, %dma_wait3A_660] : memref<1x256x256x256xf32, #tpu.memory_space<hbm>> -> memref<1x1x32x256xf32, #tpu.memory_space<hbm>>
    %dma_wait3A_662 = tpu.memref_squeeze %dma_wait3A_661 : memref<1x1x32x256xf32, #tpu.memory_space<hbm>> -> memref<32x256xf32, #tpu.memory_space<hbm>>
    %dma_wait3A_663 = arith.constant 224 : i32
    %dma_wait3A_664 = arith.constant 0 : i32
    %dma_wait3A_665 = tpu.memref_slice %arg5[%dma_wait3A_658, %add3A_657, %dma_wait3A_663, %dma_wait3A_664] : memref<1x256x256x256xf32, #tpu.memory_space<hbm>> -> memref<1x1x32x256xf32, #tpu.memory_space<hbm>>
    %dma_wait3A_666 = tpu.memref_squeeze %dma_wait3A_665 : memref<1x1x32x256xf32, #tpu.memory_space<hbm>> -> memref<32x256xf32, #tpu.memory_space<hbm>>
    tpu.wait_dma2 semaphore(%arg24 : memref<!tpu.dma_semaphore, #tpu.memory_space<semaphore_mem>>) src(%arg14 : memref<32x256xf32, #tpu.memory_space<vmem>>) dst(%dma_wait3A_666 : memref<32x256xf32, #tpu.memory_space<hbm>>)
    %add3A_667 = arith.constant 2 : i32
    %add3A_668 = arith.addi %mul3A_2, %add3A_667 : i32
    %dma_wait3A_669 = arith.constant 0 : i32
    %dma_wait3A_670 = arith.constant 224 : i32
    %dma_wait3A_671 = arith.constant 0 : i32
    %dma_wait3A_672 = tpu.memref_slice %arg5[%dma_wait3A_669, %add3A_668, %dma_wait3A_670, %dma_wait3A_671] : memref<1x256x256x256xf32, #tpu.memory_space<hbm>> -> memref<1x1x32x256xf32, #tpu.memory_space<hbm>>
    %dma_wait3A_673 = tpu.memref_squeeze %dma_wait3A_672 : memref<1x1x32x256xf32, #tpu.memory_space<hbm>> -> memref<32x256xf32, #tpu.memory_space<hbm>>
    %dma_wait3A_674 = arith.constant 224 : i32
    %dma_wait3A_675 = arith.constant 0 : i32
    %dma_wait3A_676 = tpu.memref_slice %arg5[%dma_wait3A_669, %add3A_668, %dma_wait3A_674, %dma_wait3A_675] : memref<1x256x256x256xf32, #tpu.memory_space<hbm>> -> memref<1x1x32x256xf32, #tpu.memory_space<hbm>>
    %dma_wait3A_677 = tpu.memref_squeeze %dma_wait3A_676 : memref<1x1x32x256xf32, #tpu.memory_space<hbm>> -> memref<32x256xf32, #tpu.memory_space<hbm>>
    tpu.wait_dma2 semaphore(%arg24 : memref<!tpu.dma_semaphore, #tpu.memory_space<semaphore_mem>>) src(%arg15 : memref<32x256xf32, #tpu.memory_space<vmem>>) dst(%dma_wait3A_677 : memref<32x256xf32, #tpu.memory_space<hbm>>)
    %add3A_678 = arith.constant 3 : i32
    %add3A_679 = arith.addi %mul3A_2, %add3A_678 : i32
    %dma_wait3A_680 = arith.constant 0 : i32
    %dma_wait3A_681 = arith.constant 224 : i32
    %dma_wait3A_682 = arith.constant 0 : i32
    %dma_wait3A_683 = tpu.memref_slice %arg5[%dma_wait3A_680, %add3A_679, %dma_wait3A_681, %dma_wait3A_682] : memref<1x256x256x256xf32, #tpu.memory_space<hbm>> -> memref<1x1x32x256xf32, #tpu.memory_space<hbm>>
    %dma_wait3A_684 = tpu.memref_squeeze %dma_wait3A_683 : memref<1x1x32x256xf32, #tpu.memory_space<hbm>> -> memref<32x256xf32, #tpu.memory_space<hbm>>
    %dma_wait3A_685 = arith.constant 224 : i32
    %dma_wait3A_686 = arith.constant 0 : i32
    %dma_wait3A_687 = tpu.memref_slice %arg5[%dma_wait3A_680, %add3A_679, %dma_wait3A_685, %dma_wait3A_686] : memref<1x256x256x256xf32, #tpu.memory_space<hbm>> -> memref<1x1x32x256xf32, #tpu.memory_space<hbm>>
    %dma_wait3A_688 = tpu.memref_squeeze %dma_wait3A_687 : memref<1x1x32x256xf32, #tpu.memory_space<hbm>> -> memref<32x256xf32, #tpu.memory_space<hbm>>
    tpu.wait_dma2 semaphore(%arg24 : memref<!tpu.dma_semaphore, #tpu.memory_space<semaphore_mem>>) src(%arg16 : memref<32x256xf32, #tpu.memory_space<vmem>>) dst(%dma_wait3A_688 : memref<32x256xf32, #tpu.memory_space<hbm>>)
    %add3A_689 = arith.constant 4 : i32
    %add3A_690 = arith.addi %mul3A_2, %add3A_689 : i32
    %dma_wait3A_691 = arith.constant 0 : i32
    %dma_wait3A_692 = arith.constant 224 : i32
    %dma_wait3A_693 = arith.constant 0 : i32
    %dma_wait3A_694 = tpu.memref_slice %arg5[%dma_wait3A_691, %add3A_690, %dma_wait3A_692, %dma_wait3A_693] : memref<1x256x256x256xf32, #tpu.memory_space<hbm>> -> memref<1x1x32x256xf32, #tpu.memory_space<hbm>>
    %dma_wait3A_695 = tpu.memref_squeeze %dma_wait3A_694 : memref<1x1x32x256xf32, #tpu.memory_space<hbm>> -> memref<32x256xf32, #tpu.memory_space<hbm>>
    %dma_wait3A_696 = arith.constant 224 : i32
    %dma_wait3A_697 = arith.constant 0 : i32
    %dma_wait3A_698 = tpu.memref_slice %arg5[%dma_wait3A_691, %add3A_690, %dma_wait3A_696, %dma_wait3A_697] : memref<1x256x256x256xf32, #tpu.memory_space<hbm>> -> memref<1x1x32x256xf32, #tpu.memory_space<hbm>>
    %dma_wait3A_699 = tpu.memref_squeeze %dma_wait3A_698 : memref<1x1x32x256xf32, #tpu.memory_space<hbm>> -> memref<32x256xf32, #tpu.memory_space<hbm>>
    tpu.wait_dma2 semaphore(%arg24 : memref<!tpu.dma_semaphore, #tpu.memory_space<semaphore_mem>>) src(%arg17 : memref<32x256xf32, #tpu.memory_space<vmem>>) dst(%dma_wait3A_699 : memref<32x256xf32, #tpu.memory_space<hbm>>)
    %add3A_700 = arith.constant 5 : i32
    %add3A_701 = arith.addi %mul3A_2, %add3A_700 : i32
    %dma_wait3A_702 = arith.constant 0 : i32
    %dma_wait3A_703 = arith.constant 224 : i32
    %dma_wait3A_704 = arith.constant 0 : i32
    %dma_wait3A_705 = tpu.memref_slice %arg5[%dma_wait3A_702, %add3A_701, %dma_wait3A_703, %dma_wait3A_704] : memref<1x256x256x256xf32, #tpu.memory_space<hbm>> -> memref<1x1x32x256xf32, #tpu.memory_space<hbm>>
    %dma_wait3A_706 = tpu.memref_squeeze %dma_wait3A_705 : memref<1x1x32x256xf32, #tpu.memory_space<hbm>> -> memref<32x256xf32, #tpu.memory_space<hbm>>
    %dma_wait3A_707 = arith.constant 224 : i32
    %dma_wait3A_708 = arith.constant 0 : i32
    %dma_wait3A_709 = tpu.memref_slice %arg5[%dma_wait3A_702, %add3A_701, %dma_wait3A_707, %dma_wait3A_708] : memref<1x256x256x256xf32, #tpu.memory_space<hbm>> -> memref<1x1x32x256xf32, #tpu.memory_space<hbm>>
    %dma_wait3A_710 = tpu.memref_squeeze %dma_wait3A_709 : memref<1x1x32x256xf32, #tpu.memory_space<hbm>> -> memref<32x256xf32, #tpu.memory_space<hbm>>
    tpu.wait_dma2 semaphore(%arg24 : memref<!tpu.dma_semaphore, #tpu.memory_space<semaphore_mem>>) src(%arg18 : memref<32x256xf32, #tpu.memory_space<vmem>>) dst(%dma_wait3A_710 : memref<32x256xf32, #tpu.memory_space<hbm>>)
    %add3A_711 = arith.constant 6 : i32
    %add3A_712 = arith.addi %mul3A_2, %add3A_711 : i32
    %dma_wait3A_713 = arith.constant 0 : i32
    %dma_wait3A_714 = arith.constant 224 : i32
    %dma_wait3A_715 = arith.constant 0 : i32
    %dma_wait3A_716 = tpu.memref_slice %arg5[%dma_wait3A_713, %add3A_712, %dma_wait3A_714, %dma_wait3A_715] : memref<1x256x256x256xf32, #tpu.memory_space<hbm>> -> memref<1x1x32x256xf32, #tpu.memory_space<hbm>>
    %dma_wait3A_717 = tpu.memref_squeeze %dma_wait3A_716 : memref<1x1x32x256xf32, #tpu.memory_space<hbm>> -> memref<32x256xf32, #tpu.memory_space<hbm>>
    %dma_wait3A_718 = arith.constant 224 : i32
    %dma_wait3A_719 = arith.constant 0 : i32
    %dma_wait3A_720 = tpu.memref_slice %arg5[%dma_wait3A_713, %add3A_712, %dma_wait3A_718, %dma_wait3A_719] : memref<1x256x256x256xf32, #tpu.memory_space<hbm>> -> memref<1x1x32x256xf32, #tpu.memory_space<hbm>>
    %dma_wait3A_721 = tpu.memref_squeeze %dma_wait3A_720 : memref<1x1x32x256xf32, #tpu.memory_space<hbm>> -> memref<32x256xf32, #tpu.memory_space<hbm>>
    tpu.wait_dma2 semaphore(%arg24 : memref<!tpu.dma_semaphore, #tpu.memory_space<semaphore_mem>>) src(%arg19 : memref<32x256xf32, #tpu.memory_space<vmem>>) dst(%dma_wait3A_721 : memref<32x256xf32, #tpu.memory_space<hbm>>)
    %add3A_722 = arith.constant 7 : i32
    %add3A_723 = arith.addi %mul3A_2, %add3A_722 : i32
    %dma_wait3A_724 = arith.constant 0 : i32
    %dma_wait3A_725 = arith.constant 224 : i32
    %dma_wait3A_726 = arith.constant 0 : i32
    %dma_wait3A_727 = tpu.memref_slice %arg5[%dma_wait3A_724, %add3A_723, %dma_wait3A_725, %dma_wait3A_726] : memref<1x256x256x256xf32, #tpu.memory_space<hbm>> -> memref<1x1x32x256xf32, #tpu.memory_space<hbm>>
    %dma_wait3A_728 = tpu.memref_squeeze %dma_wait3A_727 : memref<1x1x32x256xf32, #tpu.memory_space<hbm>> -> memref<32x256xf32, #tpu.memory_space<hbm>>
    %dma_wait3A_729 = arith.constant 224 : i32
    %dma_wait3A_730 = arith.constant 0 : i32
    %dma_wait3A_731 = tpu.memref_slice %arg5[%dma_wait3A_724, %add3A_723, %dma_wait3A_729, %dma_wait3A_730] : memref<1x256x256x256xf32, #tpu.memory_space<hbm>> -> memref<1x1x32x256xf32, #tpu.memory_space<hbm>>
    %dma_wait3A_732 = tpu.memref_squeeze %dma_wait3A_731 : memref<1x1x32x256xf32, #tpu.memory_space<hbm>> -> memref<32x256xf32, #tpu.memory_space<hbm>>
    tpu.wait_dma2 semaphore(%arg24 : memref<!tpu.dma_semaphore, #tpu.memory_space<semaphore_mem>>) src(%arg20 : memref<32x256xf32, #tpu.memory_space<vmem>>) dst(%dma_wait3A_732 : memref<32x256xf32, #tpu.memory_space<hbm>>)
    return
  }
}

</mosaic_0001>

<sc_bundles>
// kernel: _sc_call.3.cloned.1.call-start
scs
__scs_entry_jumppad:
0x0: {  	(pc) =	sbr.rel $0x88, $3  }
0x1: {  	(tag) =	ssettag $0x0;
	lr =	simm.s32 $0x1  }
0x2: {  	[smem:$0x3F9E] =	sst lr;
	_ =	strace $0xD0000000  }
0x3: {  	_ = 	snop  }
0x4: {  	_ = 	snop  }
0x5: {  	_ = 	snop  }
0x6: {  	_ = 	snop  }
0x7: {  	_ = 	snop  }
__scs_overlays_trampoline_lowered:
0x8: {  	[smem:$0x3FAD] =	sst s0  }
0x9: {  	[smem:$0x3FAE] =	sst s1  }
0xa: {  	[smem:$0x3FAF] =	sst s2  }
0xb: {  	[smem:$0x3FB0] =	sst s3  }
0xc: {  	[smem:$0x3FB1] =	sst s4  }
0xd: {  	[smem:$0x3FB2] =	sst s5  }
0xe: {  	[smem:$0x3FB3] =	sst s6  }
0xf: {  	[smem:$0x3FB4] =	sst s7  }
0x10: {  	[smem:$0x3FB5] =	sst s8  }
0x11: {  	[smem:$0x3FB6] =	sst s9;
	s0 =	simm.s32 @!p0 $0x0  }
0x12: {  	s1 =	sld [smem:$0x3F9C];
	s0 =	simm.s32 @p0 $0x1  }
0x13: {  	[smem:$0x3FB7] =	sst s0;
	s0 =	simm.s32 @!p1 $0x0  }
0x14: {  	s2 =	sld [smem:$0x3F9B];
	s0 =	simm.s32 @p1 $0x1  }
0x15: {  	[smem:$0x3FB8] =	sst s0;
	s0 =	simm.s32 @!p2 $0x0  }
0x16: {  	s3 =	sld [smem:$0x3FDB];
	s0 =	simm.s32 @p2 $0x1  }
0x17: {  	s4 =	simm.s32 $0x1BF5;
	[smem:$0x3FBA] =	sst s0  }
0x18: {  	s0 =	sld [smem:$0x3F9D];
	_ =	swait.ge [sflag:s4], $0x0  }
0x19: {  	s7 =	sld [smem:$0x3F9E]  }
0x1a: {  	s8 =	sadd.s32 $0xFFFFE003, lr  }
0x1b: {  	s9 =	sadd.s32 $0xFFFFFEF7, lr;
	s5 =	simm.s32 $0xFFFFFFFF;
	p2 =	slt.u32 s8, $0xFFFFF086  }
0x1c: {  	p1 =	slt.u32 s9, $0xF7A;
	s5 =	simm.s32 @!p2 $0x0  }
0x1d: {  	s5 =	simm.s32 @p1 $0x1;
	p0 =	seq.s32 s7, s2  }
0x1e: {  	s7 =	smul.u32 @!p0 $0xF7A, s2;
	p2 =	seq.s32 @!p0 s5, $0x0  }
0x1f: {  	s9 =	smul.u32 $0xF7A, s1;
	s8 =	simm.s32 @!p0 $0x1BF5;
	p2 =	por !p2, p0  }
0x20: {  	[sflag:s8] =	ssyncset.s32 @!p0 $0xFFFFF086;
	s6 =	sadd.s32 @!p0 s3, s7;
	s7 =	simm.s32 @!p0 $0x108  }
0x21: {  	s3 =	sadd.s32 s3, s9;
	s6 =	sadd.s32 @!p0 $0x88, s6;
	s7 =	simm.s32 @p2 $0x1082  }
0x22: {  	[simem:s7], [sflag:s8] =	dma.local @!p0 [hbm:s6], $0xF7A  }
0x23: {  	s9 =	sor.u32 $0xD0000000, s2;
	s6 =	simm.s32 $0x108;
	_ =	swait.ge @!p0 [sflag:s8], $0x0  }
0x24: {  	s3 =	sadd.s32 $0x88, s3;
	s6 =	simm.s32 @!p1 $0x1082;
	[sflag:s4] =	ssyncset.s32 $0xFFFFF086  }
0x25: {  	[simem:s6], [sflag:s4] =	dma.local [hbm:s3], $0xF7A  }
0x26: {  	[smem:$0x3F9E] =	sst s1;
	(tag) =	ssettag s2;
	_ =	strace s9  }
0x27: {  	s1 =	sld [smem:$0x3FAE]  }
0x28: {  	s2 =	sld [smem:$0x3FAF]  }
0x29: {  	s4 =	sld [smem:$0x3FB1]  }
0x2a: {  	p0 =	seq.s32 s5, $0x0;
	s5 =	sld [smem:$0x3FB2]  }
0x2b: {  	s6 =	sld [smem:$0x3FB3]  }
0x2c: {  	s7 =	sld [smem:$0x3FB4]  }
0x2d: {  	s3 =	simm.s32 $0x108;
	s8 =	sld [smem:$0x3FB5]  }
0x2e: {  	s3 =	simm.s32 @!p0 $0x1082;
	s9 =	sld [smem:$0x3FB6]  }
0x2f: {  	lr =	sadd.s32 s0, s3;
	s0 =	sld [smem:$0x3FAD]  }
0x30: {  	s3 =	sld [smem:$0x3FB0]  }
0x31: {  	[smem:$0x3FB9] =	sst s10  }
0x32: {  	s10 =	sld [smem:$0x3FB7];
	_ =	sdelay $0x3  }
0x33: {  	p0 =	seq.s32 s10, $0x1;
	s10 =	sld [smem:$0x3FB9];
	_ =	sdelay $0x3  }
0x34: {  	[smem:$0x3FB9] =	sst s10  }
0x35: {  	s10 =	sld [smem:$0x3FB8];
	_ =	sdelay $0x3  }
0x36: {  	p1 =	seq.s32 s10, $0x1;
	s10 =	sld [smem:$0x3FB9];
	_ =	sdelay $0x3  }
0x37: {  	[smem:$0x3FB9] =	sst s10  }
0x38: {  	s10 =	sld [smem:$0x3FBA]  }
0x39: {  	_ = 	snop;
	(pc) =	sbr.ind lr, $3  }
0x3a: {  	_ = 	snop  }
0x3b: {  	_ = 	snop  }
0x3c: {  	p2 =	seq.s32 s10, $0x1;
	s10 =	sld [smem:$0x3FB9]  }
0x3d: {  	_ =	shalt  }
0x3e: {  	_ =	shalt  }
0x3f: {  	_ =	shalt  }
0x40: {  	_ =	shalt  }
0x41: {  	_ =	shalt  }
0x42: {  	_ =	shalt  }
0x43: {  	_ =	shalt  }
0x44: {  	_ =	shalt  }
0x45: {  	_ =	shalt  }
0x46: {  	_ =	shalt  }
0x47: {  	_ =	shalt  }
0x48: {  	_ =	shalt  }
0x49: {  	_ =	shalt  }
0x4a: {  	_ =	shalt  }
0x4b: {  	_ =	shalt  }
0x4c: {  	_ =	shalt  }
0x4d: {  	_ =	shalt  }
0x4e: {  	_ =	shalt  }
0x4f: {  	_ =	shalt  }
0x50: {  	_ =	shalt  }
0x51: {  	_ =	shalt  }
0x52: {  	_ =	shalt  }
0x53: {  	_ =	shalt  }
0x54: {  	_ =	shalt  }
0x55: {  	_ =	shalt  }
0x56: {  	_ =	shalt  }
0x57: {  	_ =	shalt  }
0x58: {  	_ =	shalt  }
0x59: {  	_ =	shalt  }
0x5a: {  	_ =	shalt  }
0x5b: {  	_ =	shalt  }
0x5c: {  	_ =	shalt  }
0x5d: {  	_ =	shalt  }
0x5e: {  	_ =	shalt  }
0x5f: {  	_ =	shalt  }
0x60: {  	_ =	shalt  }
0x61: {  	_ =	shalt  }
0x62: {  	_ =	shalt  }
0x63: {  	_ =	shalt  }
0x64: {  	_ =	shalt  }
0x65: {  	_ =	shalt  }
0x66: {  	_ =	shalt  }
0x67: {  	_ =	shalt  }
0x68: {  	_ =	shalt  }
0x69: {  	_ =	shalt  }
0x6a: {  	_ =	shalt  }
0x6b: {  	_ =	shalt  }
0x6c: {  	_ =	shalt  }
0x6d: {  	_ =	shalt  }
0x6e: {  	_ =	shalt  }
0x6f: {  	_ =	shalt  }
0x70: {  	_ =	shalt  }
0x71: {  	_ =	shalt  }
0x72: {  	_ =	shalt  }
0x73: {  	_ =	shalt  }
0x74: {  	_ =	shalt  }
0x75: {  	_ =	shalt  }
0x76: {  	_ =	shalt  }
0x77: {  	_ =	shalt  }
0x78: {  	_ =	shalt  }
0x79: {  	_ =	shalt  }
0x7a: {  	_ =	shalt  }
0x7b: {  	_ =	shalt  }
0x7c: {  	_ =	shalt  }
0x7d: {  	_ =	shalt  }
0x7e: {  	_ =	shalt  }
0x7f: {  	_ =	shalt  }
0x80: {  	_ =	shalt  }
0x81: {  	_ =	shalt  }
0x82: {  	_ =	shalt  }
0x83: {  	_ =	shalt  }
0x84: {  	_ =	shalt  }
0x85: {  	_ =	shalt  }
0x86: {  	_ =	shalt  }
0x87: {  	_ =	shalt  }
.Lfunc_end0:
.L_simem_size_0:
called_computation_lowered:
.L_overlay_start_0:
0x88: {  	s2 =	sld [smem:$0x3FD9]  }
0x89: {  	s3 =	sld [smem:$0x3FFE];
	_ =	sdelay $0x1  }
0x8a: {  	s1 =	srdreg.scid  }
0x8b: {  	s0 =	sand.u32 $0x1, s1  }
0x8c: {  	s18 =	sshll.u32 s0, $0xA;
	s2 =	sadd.s32 s3, s2  }
0x8d: {  	s2 =	sadd.s32 s2, s18  }
0x8e: {  	[smem:$0x3FC5] =	sst s2  }
0x8f: {  	_ = 	snop  }
0x90: {  	s2 =	sld [smem:$0x3FC9]  }
0x91: {  	s19 =	sld [smem:$0x3FD0];
	(tm) =	ssettm $0x1  }
0x92: {  	s4 =	sld [smem:$0x3FFB];
	_ =	sdelay $0x3  }
0x93: {  	_ =	strace s4  }
0x94: {  	s4 =	sld [smem:$0x3FFC];
	_ =	sdelay $0x3  }
0x95: {  	_ =	strace s4  }
0x96: {  	s4 =	sld [smem:$0x3FFD];
	_ =	sdelay $0x3  }
0x97: {  	_ =	strace s4  }
0x98: {  	_ =	strace $0x8FFFFFFF  }
0x99: {  	s20 =	sld [smem:$0x3FDB];
	_ =	sdelay $0x1  }
0x9a: {  	s5 =	simm.s32 $_scs_section_size  }
0x9b: {  	s6 =	simm.s32 $_size__tile_overlayer_lowered;
	s7 =	simm.s32 $_tile_overlayer_lowered  }
0x9c: {  	s23 =	simm.s32 $0x1BFF;
	s22 =	sshll.u32 s7, $0x1;
	s4 =	sadd.s32 s5, s20  }
0x9d: {  	s8 =	simm.s32 $0x0;
	s21 =	sshll.u32 s6, $0x1;
	s6 =	sadd.s32 s22, s4  }
0x9e: {  	[timem:s8], [sflag:s23] =	dma.local [hbm:s6], s21  }
0x9f: {  	_ =	swait.ge [sflag:s23], s21  }
0xa0: {  	s5 =	ssub.s32 $0x0, s21;
	[sflag:s23] =	ssyncset.done $0x0  }
0xa1: {  	[sflag:s23] =	ssyncadd.s32 s5;
	_ =	sdelay $0x1  }
0xa2: {  	s24 =	simm.s32 $0x1B8B  }
0xa3: {  	_ =	swait.ge [sflag:s24], $0x1  }
0xa4: {  	[sflag:s24] =	ssyncset.done $0x0  }
0xa5: {  	s25 =	simm.s32 $0x1B8E;
	[sflag:s24] =	ssyncadd.s32 $0xFFFFFFFF  }
0xa6: {  	s26 =	simm.s32 $execute0_lowered;
	[smem:$0x3FD2] =	sst s25  }
0xa7: {  	s5 =	sshll.u32 s26, $0x1;
	_ =	strace $0x80000046;
	[dreg:$0x1] =	wrdreg $0xFFFFFFFF  }
0xa8: {  	s28 =	simm.s32 $_size_execute0_lowered;
	s4 =	sadd.s32 s4, s5;
	[dreg:$0x0] =	wrdreg $0x0  }
0xa9: {  	s5 =	sshll.u32 s28, $0x1;
	[dreg:$0x2] =	wrdreg s4  }
0xaa: {  	[dreg:$0x3] =	wrdreg s5  }
0xab: {  	[dreg:$0x4] =	wrdreg $0xC0  }
0xac: {  	_ =	task [dreg:s8], $0x5FFFF  }
0xad: {  	[dreg:$0x1] =	wrdreg $0xFFFFFFFF  }
0xae: {  	[dreg:$0x0] =	wrdreg $0x60  }
0xaf: {  	[dreg:$0x2] =	wrdreg s2  }
0xb0: {  	[dreg:$0x3] =	wrdreg s19  }
0xb1: {  	[dreg:$0x4] =	wrdreg $0x9  }
0xb2: {  	_ =	task.clear_ibuf [dreg:s8], $0x5FFFF;
	_ =	strace $0x90000046  }
0xb3: {  	s29 =	simm.s32 $0x9;
	_ =	strace $0x80000048  }
0xb4: {  	_ =	swait.ge [sflag:s29], $0x1  }
0xb5: {  	[sflag:s29] =	ssyncadd.s32 $0xFFFFFFFF  }
0xb6: {  	_ =	strace $0x90000048  }
0xb7: {  	_ =	sfence  }
0xb8: {  	s30 =	sld [smem:$0x0];
	_ =	sdelay $0x2  }
0xb9: {  	s31 =	sshll.u32 s1, $0xD;
	s1 =	sshrl.u32 s1, $0x2  }
0xba: {  	s3 =	sand.u32 $0x4000, s31;
	s1 =	sadd.s32 s1, s30  }
0xbb: {  	s0 =	sor.u32 s3, s0;
	s1 =	sshll.u32 s1, $0x11  }
0xbc: {  	s0 =	sor.u32 s1, s0  }
0xbd: {  	s0 =	sadd.s32 $0x8F2B, s0  }
0xbe: {  	[sflag:s0] =	ssyncadd.remote.s32 $0x1  }
0xbf: {  	_ =	sfence.sel $0xFFFF  }
0xc0: {  	[dreg:$0x0] =	wrdreg $0xFFFFFFFF;
	(pc) =	sbr.abs _section_cstart, $3  }
0xc1: {  	[dreg:$0x1] =	wrdreg $0xFFFFFFFF  }
0xc2: {  	_ =	task.clear_ibuf [dreg:s8], $0x2FFFF;
	_ =	strace $0x9FFFFFFF  }
0xc3: {  	(tm) =	ssettm $0x7FFFFFFF  }
tec
execute0_lowered:
.L_overlay_start_1:
0x0: {  	(tag) =	ssettag $0x1  }
0x1: {  	s1 =	srdreg.scid  }
0x2: {  	s8 =	stileid.u32;
	s4 =	sand.u32 $0x1, s1  }
0x3: {  	s13 =	sshll.u32 s8, $0x4;
	s5 =	sshll.u32 s4, $0x3  }
0x4: {  	s3 =	rddreg [dreg:$0x0];
	s5 =	sor.u32 s5, s13  }
0x5: {  	s0 =	rddreg [dreg:$0x1];
	s2 =	simm.s32 $0x0;
	s7 =	sshll.u32 s5, $0x5  }
0x6: {  	s28 =	simm.s32 $0x3;
	[smem:$0x7FF] =	sst s2;
	s15 =	sadd.s32 s3, s7  }
0x7: {  	_ =	strace $0x80000047;
	s3 =	sadd.s32 $0x10, s15;
	[dreg:$0xe] =	wrdreg s15  }
0x8: {  	s29 =	simm.s32 $0x880;
	s16 =	sadd.s32 $0x20, s15;
	[dreg:$0xf] =	wrdreg s3  }
0x9: {  	s6 =	ssub.s32 $0x2, s4;
	s17 =	sadd.s32 $0x30, s15;
	[dreg:$0x10] =	wrdreg s16  }
0xa: {  	s14 =	sshrl.u32 s6, $0x1;
	s18 =	sadd.s32 $0x40, s15;
	[dreg:$0x11] =	wrdreg s17  }
0xb: {  	s1 =	ssub.s32 s6, s14;
	s19 =	sadd.s32 $0x50, s15;
	[dreg:$0x12] =	wrdreg s18  }
0xc: {  	s21 =	sshll.u32 s5, $0xD;
	s20 =	sadd.s32 $0x60, s15;
	[dreg:$0x13] =	wrdreg s19  }
0xd: {  	s11 =	sadd.s32 s0, s21;
	s6 =	sadd.s32 $0x70, s15;
	[dreg:$0x14] =	wrdreg s20  }
0xe: {  	s30 =	simm.s32 $0x2880;
	s23 =	sadd.s32 $0x2000, s11;
	[dreg:$0x15] =	wrdreg s6  }
0xf: {  	s31 =	simm.s32 $0x4880;
	s24 =	sadd.s32 $0x4000, s11;
	[dreg:$0x16] =	wrdreg s23  }
0x10: {  	s22 =	sshll.u32 s8, $0x14;
	s26 =	sadd.s32 $0x6000, s11;
	[dreg:$0x17] =	wrdreg s24  }
0x11: {  	s4 =	sshll.u32 s4, $0x13;
	s7 =	sadd.s32 $0xA000, s11;
	[dreg:$0x18] =	wrdreg s26  }
0x12: {  	s3 =	sor.u32 s4, s22;
	s6 =	sadd.s32 $0x8000, s11;
	[dreg:$0x1a] =	wrdreg s7  }
0x13: {  	s25 =	sor.u32 $0x76000, s3;
	[dreg:$0x19] =	wrdreg s6;
	s8 =	sor.u32 $0x66000, s3  }
0x14: {  	s10 =	sor.u32 $0x56000, s3;
	s12 =	sor.u32 $0x46000, s3;
	s16 =	sor.u32 $0x36000, s3  }
0x15: {  	s18 =	sor.u32 $0x26000, s3;
	s19 =	sor.u32 $0x16000, s3;
	s26 =	sor.u32 $0x64000, s3  }
0x16: {  	s4 =	sshrl.u32 s25, $0x3;
	s9 =	sshrl.u32 s8, $0x3;
	s8 =	sadd.s32 $0xC000, s11  }
0x17: {  	s5 =	sshrl.u32 s10, $0x3;
	s10 =	sadd.s32 $0xE000, s11;
	[dreg:$0x1b] =	wrdreg s8  }
0x18: {  	s7 =	sshrl.u32 s26, $0x3;
	s26 =	sadd.s32 $0x6400, s11;
	[dreg:$0x1c] =	wrdreg s10  }
0x19: {  	s23 =	sor.u32 $0x6000, s3;
	s4 =	sadd.s32 s4, s0;
	[smem:$0x7EA] =	sst s26  }
0x1a: {  	s14 =	sshrl.u32 s12, $0x3;
	s13 =	sadd.s32 s5, s0;
	[dreg:$0x3] =	wrdreg s4  }
0x1b: {  	s21 =	sshrl.u32 s19, $0x3;
	s15 =	sadd.s32 s14, s0;
	[dreg:$0x5] =	wrdreg s13  }
0x1c: {  	s17 =	sshrl.u32 s16, $0x3;
	s22 =	sadd.s32 s21, s0;
	[dreg:$0x6] =	wrdreg s15  }
0x1d: {  	s5 =	sshrl.u32 s18, $0x3;
	s18 =	smax.u32 s1, $0x1;
	[dreg:$0x9] =	wrdreg s22  }
0x1e: {  	s24 =	sshrl.u32 s23, $0x3;
	s1 =	sadd.s32 $0x8400, s11;
	[dreg:$0x1e] =	wrdreg s18  }
0x1f: {  	s25 =	sor.u32 $0x74000, s3;
	s8 =	sadd.s32 $0x5800, s11;
	[smem:$0x7EB] =	sst s1  }
0x20: {  	s12 =	sor.u32 $0x54000, s3;
	s10 =	sadd.s32 $0x9800, s11;
	[smem:$0x7F1] =	sst s8  }
0x21: {  	s16 =	sor.u32 $0x14000, s3;
	s26 =	sadd.s32 $0xDC00, s11;
	[smem:$0x7F3] =	sst s10  }
0x22: {  	s14 =	sor.u32 $0x34000, s3;
	s4 =	sadd.s32 s9, s0;
	[smem:$0x7FD] =	sst s26  }
0x23: {  	s20 =	sadd.s32 s5, s0;
	s5 =	sshrl.u32 s25, $0x3;
	[dreg:$0x4] =	wrdreg s4  }
0x24: {  	s9 =	sadd.s32 s7, s0;
	s13 =	sor.u32 $0x44000, s3;
	[dreg:$0x8] =	wrdreg s20  }
0x25: {  	s6 =	sshrl.u32 s14, $0x3;
	s25 =	sadd.s32 $0x4400, s11;
	[dreg:$0xc] =	wrdreg s9  }
0x26: {  	s15 =	sor.u32 $0x24000, s3;
	s7 =	sadd.s32 $0x3800, s11;
	[smem:$0x7E9] =	sst s25  }
0x27: {  	s3 =	sor.u32 $0x4000, s3;
	s14 =	sadd.s32 $0xF800, s11;
	[smem:$0x7F0] =	sst s7  }
0x28: {  	s18 =	sadd.s32 $0x7C00, s11;
	s26 =	simm.s32 $0x400;
	[smem:$0x7F6] =	sst s14  }
0x29: {  	s1 =	simm.s32 $0x8880;
	s4 =	sadd.s32 s17, s0;
	[smem:$0x7FA] =	sst s18  }
0x2a: {  	s8 =	simm.s32 $0x2;
	s5 =	sadd.s32 s5, s0;
	[dreg:$0x7] =	wrdreg s4  }
0x2b: {  	s20 =	sadd.s32 s6, s0;
	s17 =	sadd.s32 $0x400, s11;
	[dreg:$0xb] =	wrdreg s5  }
0x2c: {  	s3 =	sshrl.u32 s3, $0x3;
	s6 =	sadd.s32 $0x1800, s11;
	[dreg:$0x1d] =	wrdreg s17  }
0x2d: {  	s9 =	sadd.s32 $0x7800, s11;
	s25 =	sadd.s32 $0xBC00, s11;
	[smem:$0x7EF] =	sst s6  }
0x2e: {  	s7 =	simm.s32 $0x1;
	s4 =	sadd.s32 s24, s0;
	[smem:$0x7F2] =	sst s9  }
0x2f: {  	s5 =	sshrl.u32 s13, $0x3;
	s23 =	sadd.s32 s3, s0;
	[smem:$0x7FC] =	sst s25  }
0x30: {  	s24 =	sadd.s32 $0x2400, s11;
	s3 =	sadd.s32 $0xA400, s11;
	[dreg:$0xa] =	wrdreg s4  }
0x31: {  	s13 =	sadd.s32 $0xD800, s11;
	s17 =	sadd.s32 $0x5C00, s11;
	[dreg:$0x1f] =	wrdreg s24  }
0x32: {  	s25 =	simm.s32 $0x80;
	s6 =	simm.s32 $0xE880;
	[smem:$0x7EC] =	sst s3  }
0x33: {  	s9 =	simm.s32 $0x0;
	s4 =	sshrl.u32 s12, $0x3;
	[smem:$0x7F5] =	sst s13  }
0x34: {  	s19 =	sadd.s32 s5, s0;
	s12 =	sadd.s32 $0xB800, s11;
	[smem:$0x7F9] =	sst s17  }
0x35: {  	s5 =	sshrl.u32 s16, $0x3;
	s16 =	sadd.s32 $0x3C00, s11;
	[smem:$0x7F4] =	sst s12  }
0x36: {  	s24 =	sadd.s32 $0x9C00, s11;
	s4 =	sadd.s32 s4, s0;
	[smem:$0x7F8] =	sst s16  }
0x37: {  	s22 =	sadd.s32 s5, s0;
	s5 =	sadd.s32 $0xE400, s11;
	[smem:$0x7FB] =	sst s24  }
0x38: {  	s24 =	sadd.s32 $0xFC00, s11;
	[dreg:$0xd] =	wrdreg s4;
	s4 =	sshrl.u32 s15, $0x3  }
0x39: {  	[smem:$0x7EE] =	sst s5;
	s15 =	sadd.s32 $0x1C00, s11;
	s5 =	simm.s32 $0xC880  }
0x3a: {  	s21 =	sadd.s32 s4, s0;
	s4 =	sadd.s32 $0xC400, s11;
	[smem:$0x7F7] =	sst s15  }
0x3b: {  	s0 =	simm.s32 $0x6880;
	[smem:$0x7ED] =	sst s4;
	s4 =	simm.s32 $0xA880  }
.LBB2_1:
0x3c: {  	s3 =	rddreg [dreg:$0xe]  }
0x3d: {  	[tilespmem:s2], [sflag:$0x3] =	stream.strided.gather [hbm4b:s3+s25], $0x100, s26, s25, $0x38;
	[tilespmem:$0x10880] =	vst v63  }
0x3e: {  	_ =	swait.ge [sflag:s28], $0x100  }
0x3f: {  	[sflag:s28] =	ssyncset.done $0x0  }
0x40: {  	s10 =	simm.s32 $0x100;
	s14 =	rddreg [dreg:$0xf];
	[sflag:s28] =	ssyncadd.s32 $0xFFFFFF00  }
0x41: {  	[tilespmem:s10], [sflag:$0x3] =	stream.strided.gather [hbm4b:s14+s25], $0x100, s26, s25, $0x38;
	[tilespmem:$0x10880] =	vst v63  }
0x42: {  	_ =	swait.ge [sflag:s28], $0x100  }
0x43: {  	[sflag:s28] =	ssyncset.done $0x0  }
0x44: {  	s16 =	simm.s32 $0x200;
	s15 =	rddreg [dreg:$0x10];
	[sflag:s28] =	ssyncadd.s32 $0xFFFFFF00  }
0x45: {  	[tilespmem:s16], [sflag:$0x3] =	stream.strided.gather [hbm4b:s15+s25], $0x100, s26, s25, $0x38;
	[tilespmem:$0x10880] =	vst v63  }
0x46: {  	_ =	swait.ge [sflag:s28], $0x100  }
0x47: {  	[sflag:s28] =	ssyncset.done $0x0  }
0x48: {  	s18 =	simm.s32 $0x300;
	s17 =	rddreg [dreg:$0x11];
	[sflag:s28] =	ssyncadd.s32 $0xFFFFFF00  }
0x49: {  	[tilespmem:s18], [sflag:$0x3] =	stream.strided.gather [hbm4b:s17+s25], $0x100, s26, s25, $0x38;
	[tilespmem:$0x10880] =	vst v63  }
0x4a: {  	_ =	swait.ge [sflag:s28], $0x100  }
0x4b: {  	[sflag:s28] =	ssyncset.done $0x0  }
0x4c: {  	s12 =	rddreg [dreg:$0x12];
	[sflag:s28] =	ssyncadd.s32 $0xFFFFFF00  }
0x4d: {  	[tilespmem:s26], [sflag:$0x3] =	stream.strided.gather [hbm4b:s12+s25], $0x100, s26, s25, $0x38;
	[tilespmem:$0x10880] =	vst v63  }
0x4e: {  	_ =	swait.ge [sflag:s28], $0x100  }
0x4f: {  	[sflag:s28] =	ssyncset.done $0x0  }
0x50: {  	s14 =	simm.s32 $0x500;
	s13 =	rddreg [dreg:$0x13];
	[sflag:s28] =	ssyncadd.s32 $0xFFFFFF00  }
0x51: {  	[tilespmem:s14], [sflag:$0x3] =	stream.strided.gather [hbm4b:s13+s25], $0x100, s26, s25, $0x38;
	[tilespmem:$0x10880] =	vst v63  }
0x52: {  	_ =	swait.ge [sflag:s28], $0x100  }
0x53: {  	[sflag:s28] =	ssyncset.done $0x0  }
0x54: {  	s16 =	simm.s32 $0x600;
	s15 =	rddreg [dreg:$0x14];
	[sflag:s28] =	ssyncadd.s32 $0xFFFFFF00  }
0x55: {  	[tilespmem:s16], [sflag:$0x3] =	stream.strided.gather [hbm4b:s15+s25], $0x100, s26, s25, $0x38;
	[tilespmem:$0x10880] =	vst v63  }
0x56: {  	_ =	swait.ge [sflag:s28], $0x100  }
0x57: {  	[sflag:s28] =	ssyncset.done $0x0  }
0x58: {  	s18 =	simm.s32 $0x700;
	s17 =	rddreg [dreg:$0x15];
	[sflag:s28] =	ssyncadd.s32 $0xFFFFFF00  }
0x59: {  	[tilespmem:s18], [sflag:$0x3] =	stream.strided.gather [hbm4b:s17+s25], $0x100, s26, s25, $0x38;
	[tilespmem:$0x10880] =	vst v63  }
0x5a: {  	_ =	swait.ge [sflag:s28], $0x100  }
0x5b: {  	[sflag:s28] =	ssyncset.done $0x0  }
0x5c: {  	s12 =	rddreg [dreg:$0x16];
	[sflag:s28] =	ssyncadd.s32 $0xFFFFFF00  }
0x5d: {  	[hbm4b:s11+s2] =	stream.linear.scatter [tilespmem:s29], [sflag:$0x1], $0x2000, $0x38;
	[tilespmem:$0x10880] =	vst v63  }
0x5e: {  	s13 =	rddreg [dreg:$0x17]  }
0x5f: {  	[hbm4b:s12+s2] =	stream.linear.scatter [tilespmem:s30], [sflag:$0x1], $0x2000, $0x38;
	[tilespmem:$0x10880] =	vst v63  }
0x60: {  	s14 =	rddreg [dreg:$0x18]  }
0x61: {  	[hbm4b:s13+s2] =	stream.linear.scatter [tilespmem:s31], [sflag:$0x1], $0x2000, $0x38;
	[tilespmem:$0x10880] =	vst v63  }
0x62: {  	s15 =	rddreg [dreg:$0x19]  }
0x63: {  	[hbm4b:s14+s2] =	stream.linear.scatter [tilespmem:s0], [sflag:$0x1], $0x2000, $0x38;
	[tilespmem:$0x10880] =	vst v63  }
0x64: {  	s16 =	rddreg [dreg:$0x1a]  }
0x65: {  	[hbm4b:s15+s2] =	stream.linear.scatter [tilespmem:s1], [sflag:$0x1], $0x2000, $0x38;
	[tilespmem:$0x10880] =	vst v63  }
0x66: {  	s17 =	rddreg [dreg:$0x1b]  }
0x67: {  	[hbm4b:s16+s2] =	stream.linear.scatter [tilespmem:s4], [sflag:$0x1], $0x2000, $0x38;
	[tilespmem:$0x10880] =	vst v63  }
0x68: {  	s18 =	rddreg [dreg:$0x1c]  }
0x69: {  	[hbm4b:s17+s2] =	stream.linear.scatter [tilespmem:s5], [sflag:$0x1], $0x2000, $0x38;
	[tilespmem:$0x10880] =	vst v63  }
0x6a: {  	s10 =	rddreg [dreg:$0x1d]  }
0x6b: {  	[hbm4b:s18+s2] =	stream.linear.scatter [tilespmem:s6], [sflag:$0x1], $0x2000, $0x38;
	[tilespmem:$0x10880] =	vst v63  }
0x6c: {  	s12 =	rddreg [dreg:$0x1f]  }
0x6d: {  	[hbm4b:s10+s2] =	stream.linear.scatter [tilespmem:s29], [sflag:$0x2], $0x2000, $0x38;
	[tilespmem:$0x10880] =	vst v63  }
0x6e: {  	s13 =	sld [smem:$0x7E9]  }
0x6f: {  	[hbm4b:s12+s2] =	stream.linear.scatter [tilespmem:s30], [sflag:$0x2], $0x2000, $0x38;
	[tilespmem:$0x10880] =	vst v63  }
0x70: {  	s14 =	sld [smem:$0x7EA]  }
0x71: {  	[hbm4b:s13+s2] =	stream.linear.scatter [tilespmem:s31], [sflag:$0x2], $0x2000, $0x38;
	[tilespmem:$0x10880] =	vst v63  }
0x72: {  	s15 =	sld [smem:$0x7EB]  }
0x73: {  	[hbm4b:s14+s2] =	stream.linear.scatter [tilespmem:s0], [sflag:$0x2], $0x2000, $0x38;
	[tilespmem:$0x10880] =	vst v63  }
0x74: {  	s16 =	sld [smem:$0x7EC]  }
0x75: {  	[hbm4b:s15+s2] =	stream.linear.scatter [tilespmem:s1], [sflag:$0x2], $0x2000, $0x38;
	[tilespmem:$0x10880] =	vst v63  }
0x76: {  	s17 =	sld [smem:$0x7ED]  }
0x77: {  	[hbm4b:s16+s2] =	stream.linear.scatter [tilespmem:s4], [sflag:$0x2], $0x2000, $0x38;
	[tilespmem:$0x10880] =	vst v63  }
0x78: {  	s18 =	sld [smem:$0x7EE]  }
0x79: {  	[hbm4b:s17+s2] =	stream.linear.scatter [tilespmem:s5], [sflag:$0x2], $0x2000, $0x38;
	[tilespmem:$0x10880] =	vst v63  }
0x7a: {  	s10 =	simm.s32 $0x0  }
0x7b: {  	[hbm4b:s18+s2] =	stream.linear.scatter [tilespmem:s6], [sflag:$0x2], $0x2000, $0x38;
	[tilespmem:$0x10880] =	vst v63  }
.LBB2_2:
0x7c: {  	_ =	swait.ge [sflag:s7], $0x2000  }
0x7d: {  	[sflag:s7] =	ssyncset.done $0x0  }
0x7e: {  	[sflag:s7] =	ssyncadd.s32 $0xFFFFE000  }
0x7f: {  	_ =	swait.ge [sflag:s7], $0x2000  }
0x80: {  	[sflag:s7] =	ssyncset.done $0x0  }
0x81: {  	[sflag:s7] =	ssyncadd.s32 $0xFFFFE000  }
0x82: {  	_ =	swait.ge [sflag:s7], $0x2000  }
0x83: {  	[sflag:s7] =	ssyncset.done $0x0  }
0x84: {  	[sflag:s7] =	ssyncadd.s32 $0xFFFFE000  }
0x85: {  	_ =	swait.ge [sflag:s7], $0x2000  }
0x86: {  	[sflag:s7] =	ssyncset.done $0x0  }
0x87: {  	[sflag:s7] =	ssyncadd.s32 $0xFFFFE000  }
0x88: {  	_ =	swait.ge [sflag:s7], $0x2000  }
0x89: {  	[sflag:s7] =	ssyncset.done $0x0  }
0x8a: {  	[sflag:s7] =	ssyncadd.s32 $0xFFFFE000  }
0x8b: {  	s12 =	rddreg [dreg:$0xd];
	_ =	swait.ge [sflag:s7], $0x2000  }
0x8c: {  	[sflag:s7] =	ssyncset.done $0x0  }
0x8d: {  	[sflag:s7] =	ssyncadd.s32 $0xFFFFE000  }
0x8e: {  	s13 =	rddreg [dreg:$0xc];
	_ =	swait.ge [sflag:s7], $0x2000  }
0x8f: {  	[sflag:s7] =	ssyncset.done $0x0  }
0x90: {  	[sflag:s7] =	ssyncadd.s32 $0xFFFFE000  }
0x91: {  	s14 =	rddreg [dreg:$0xb];
	_ =	swait.ge [sflag:s7], $0x2000  }
0x92: {  	[sflag:s7] =	ssyncset.done $0x0  }
0x93: {  	s15 =	sadd.s32 s10, s23;
	[sflag:s7] =	ssyncadd.s32 $0xFFFFE000  }
0x94: {  	[hbm4b:s15+s2] =	stream.linear.scatter [tilespmem:s29], [sflag:$0x1], $0x2000, $0x38;
	[tilespmem:$0x10880] =	vst v63  }
0x95: {  	s18 =	sadd.s32 s10, s22  }
0x96: {  	[hbm4b:s18+s2] =	stream.linear.scatter [tilespmem:s30], [sflag:$0x1], $0x2000, $0x38;
	[tilespmem:$0x10880] =	vst v63  }
0x97: {  	s3 =	sadd.s32 s10, s21  }
0x98: {  	[hbm4b:s3+s2] =	stream.linear.scatter [tilespmem:s31], [sflag:$0x1], $0x2000, $0x38;
	[tilespmem:$0x10880] =	vst v63  }
0x99: {  	s16 =	sadd.s32 s10, s20  }
0x9a: {  	[hbm4b:s16+s2] =	stream.linear.scatter [tilespmem:s0], [sflag:$0x1], $0x2000, $0x38;
	[tilespmem:$0x10880] =	vst v63  }
0x9b: {  	s17 =	sadd.s32 s10, s19  }
0x9c: {  	[hbm4b:s17+s2] =	stream.linear.scatter [tilespmem:s1], [sflag:$0x1], $0x2000, $0x38;
	[tilespmem:$0x10880] =	vst v63  }
0x9d: {  	s12 =	sadd.s32 s10, s12  }
0x9e: {  	[hbm4b:s12+s2] =	stream.linear.scatter [tilespmem:s4], [sflag:$0x1], $0x2000, $0x38;
	[tilespmem:$0x10880] =	vst v63  }
0x9f: {  	s18 =	sadd.s32 s10, s13  }
0xa0: {  	[hbm4b:s18+s2] =	stream.linear.scatter [tilespmem:s5], [sflag:$0x1], $0x2000, $0x38;
	[tilespmem:$0x10880] =	vst v63  }
0xa1: {  	s3 =	sadd.s32 s10, s14  }
0xa2: {  	[hbm4b:s3+s2] =	stream.linear.scatter [tilespmem:s6], [sflag:$0x1], $0x2000, $0x38;
	[tilespmem:$0x10880] =	vst v63  }
0xa3: {  	s12 =	rddreg [dreg:$0xa];
	_ =	swait.ge [sflag:s8], $0x2000  }
0xa4: {  	[sflag:s8] =	ssyncset.done $0x0  }
0xa5: {  	[sflag:s8] =	ssyncadd.s32 $0xFFFFE000  }
0xa6: {  	s13 =	rddreg [dreg:$0x9];
	_ =	swait.ge [sflag:s8], $0x2000  }
0xa7: {  	[sflag:s8] =	ssyncset.done $0x0  }
0xa8: {  	[sflag:s8] =	ssyncadd.s32 $0xFFFFE000  }
0xa9: {  	s14 =	rddreg [dreg:$0x8];
	_ =	swait.ge [sflag:s8], $0x2000  }
0xaa: {  	[sflag:s8] =	ssyncset.done $0x0  }
0xab: {  	[sflag:s8] =	ssyncadd.s32 $0xFFFFE000  }
0xac: {  	s15 =	rddreg [dreg:$0x7];
	_ =	swait.ge [sflag:s8], $0x2000  }
0xad: {  	[sflag:s8] =	ssyncset.done $0x0  }
0xae: {  	[sflag:s8] =	ssyncadd.s32 $0xFFFFE000  }
0xaf: {  	s16 =	rddreg [dreg:$0x6];
	_ =	swait.ge [sflag:s8], $0x2000  }
0xb0: {  	[sflag:s8] =	ssyncset.done $0x0  }
0xb1: {  	[sflag:s8] =	ssyncadd.s32 $0xFFFFE000  }
0xb2: {  	s17 =	rddreg [dreg:$0x5];
	_ =	swait.ge [sflag:s8], $0x2000  }
0xb3: {  	[sflag:s8] =	ssyncset.done $0x0  }
0xb4: {  	[sflag:s8] =	ssyncadd.s32 $0xFFFFE000  }
0xb5: {  	s18 =	rddreg [dreg:$0x4];
	_ =	swait.ge [sflag:s8], $0x2000  }
0xb6: {  	[sflag:s8] =	ssyncset.done $0x0  }
0xb7: {  	[sflag:s8] =	ssyncadd.s32 $0xFFFFE000  }
0xb8: {  	s3 =	rddreg [dreg:$0x3];
	_ =	swait.ge [sflag:s8], $0x2000  }
0xb9: {  	[sflag:s8] =	ssyncset.done $0x0  }
0xba: {  	s12 =	sadd.s32 s10, s12;
	[sflag:s8] =	ssyncadd.s32 $0xFFFFE000  }
0xbb: {  	[hbm4b:s12+s2] =	stream.linear.scatter [tilespmem:s29], [sflag:$0x2], $0x2000, $0x38;
	[tilespmem:$0x10880] =	vst v63  }
0xbc: {  	s13 =	sadd.s32 s10, s13  }
0xbd: {  	[hbm4b:s13+s2] =	stream.linear.scatter [tilespmem:s30], [sflag:$0x2], $0x2000, $0x38;
	[tilespmem:$0x10880] =	vst v63  }
0xbe: {  	s14 =	sadd.s32 s10, s14  }
0xbf: {  	[hbm4b:s14+s2] =	stream.linear.scatter [tilespmem:s31], [sflag:$0x2], $0x2000, $0x38;
	[tilespmem:$0x10880] =	vst v63  }
0xc0: {  	s15 =	sadd.s32 s10, s15  }
0xc1: {  	[hbm4b:s15+s2] =	stream.linear.scatter [tilespmem:s0], [sflag:$0x2], $0x2000, $0x38;
	[tilespmem:$0x10880] =	vst v63  }
0xc2: {  	s16 =	sadd.s32 s10, s16  }
0xc3: {  	[hbm4b:s16+s2] =	stream.linear.scatter [tilespmem:s1], [sflag:$0x2], $0x2000, $0x38;
	[tilespmem:$0x10880] =	vst v63  }
0xc4: {  	p0 =	sne.s32 s10, $0x800;
	s17 =	sadd.s32 s10, s17  }
0xc5: {  	[hbm4b:s17+s2] =	stream.linear.scatter [tilespmem:s4], [sflag:$0x2], $0x2000, $0x38;
	[tilespmem:$0x10880] =	vst v63  }
.Ltmp0:
0xc6: {  	_ = 	snop;
	(pc) =	sbr.rel @p0 .LBB2_2-.Ltmp0, $4  }
0xc7: {  	s18 =	sadd.s32 s10, s18  }
0xc8: {  	[hbm4b:s18+s2] =	stream.linear.scatter [tilespmem:s5], [sflag:$0x2], $0x2000, $0x38;
	[tilespmem:$0x10880] =	vst v63  }
0xc9: {  	s3 =	sadd.s32 s10, s3;
	s10 =	sadd.s32 $0x800, s10  }
0xca: {  	[hbm4b:s3+s2] =	stream.linear.scatter [tilespmem:s6], [sflag:$0x2], $0x2000, $0x38;
	[tilespmem:$0x10880] =	vst v63  }
0xcb: {  	_ =	swait.ge [sflag:s7], $0x2000  }
0xcc: {  	[sflag:s7] =	ssyncset.done $0x0  }
0xcd: {  	[sflag:s7] =	ssyncadd.s32 $0xFFFFE000  }
0xce: {  	_ =	swait.ge [sflag:s7], $0x2000  }
0xcf: {  	[sflag:s7] =	ssyncset.done $0x0  }
0xd0: {  	[sflag:s7] =	ssyncadd.s32 $0xFFFFE000  }
0xd1: {  	_ =	swait.ge [sflag:s7], $0x2000  }
0xd2: {  	[sflag:s7] =	ssyncset.done $0x0  }
0xd3: {  	[sflag:s7] =	ssyncadd.s32 $0xFFFFE000  }
0xd4: {  	_ =	swait.ge [sflag:s7], $0x2000  }
0xd5: {  	[sflag:s7] =	ssyncset.done $0x0  }
0xd6: {  	[sflag:s7] =	ssyncadd.s32 $0xFFFFE000  }
0xd7: {  	_ =	swait.ge [sflag:s7], $0x2000  }
0xd8: {  	[sflag:s7] =	ssyncset.done $0x0  }
0xd9: {  	[sflag:s7] =	ssyncadd.s32 $0xFFFFE000  }
0xda: {  	_ =	swait.ge [sflag:s7], $0x2000  }
0xdb: {  	[sflag:s7] =	ssyncset.done $0x0  }
0xdc: {  	[sflag:s7] =	ssyncadd.s32 $0xFFFFE000  }
0xdd: {  	_ =	swait.ge [sflag:s7], $0x2000  }
0xde: {  	[sflag:s7] =	ssyncset.done $0x0  }
0xdf: {  	[sflag:s7] =	ssyncadd.s32 $0xFFFFE000  }
0xe0: {  	_ =	swait.ge [sflag:s7], $0x2000  }
0xe1: {  	s3 =	sld [smem:$0x7EF]  }
0xe2: {  	[sflag:s7] =	ssyncset.done $0x0  }
0xe3: {  	s12 =	sld [smem:$0x7F0];
	[sflag:s7] =	ssyncadd.s32 $0xFFFFE000  }
0xe4: {  	[hbm4b:s3+s2] =	stream.linear.scatter [tilespmem:s29], [sflag:$0x1], $0x2000, $0x38;
	[tilespmem:$0x10880] =	vst v63  }
0xe5: {  	s13 =	sld [smem:$0x7F1]  }
0xe6: {  	[hbm4b:s12+s2] =	stream.linear.scatter [tilespmem:s30], [sflag:$0x1], $0x2000, $0x38;
	[tilespmem:$0x10880] =	vst v63  }
0xe7: {  	s14 =	sld [smem:$0x7F2]  }
0xe8: {  	[hbm4b:s13+s2] =	stream.linear.scatter [tilespmem:s31], [sflag:$0x1], $0x2000, $0x38;
	[tilespmem:$0x10880] =	vst v63  }
0xe9: {  	s15 =	sld [smem:$0x7F3]  }
0xea: {  	[hbm4b:s14+s2] =	stream.linear.scatter [tilespmem:s0], [sflag:$0x1], $0x2000, $0x38;
	[tilespmem:$0x10880] =	vst v63  }
0xeb: {  	s16 =	sld [smem:$0x7F4]  }
0xec: {  	[hbm4b:s15+s2] =	stream.linear.scatter [tilespmem:s1], [sflag:$0x1], $0x2000, $0x38;
	[tilespmem:$0x10880] =	vst v63  }
0xed: {  	s17 =	sld [smem:$0x7F5]  }
0xee: {  	[hbm4b:s16+s2] =	stream.linear.scatter [tilespmem:s4], [sflag:$0x1], $0x2000, $0x38;
	[tilespmem:$0x10880] =	vst v63  }
0xef: {  	s18 =	sld [smem:$0x7F6]  }
0xf0: {  	[hbm4b:s17+s2] =	stream.linear.scatter [tilespmem:s5], [sflag:$0x1], $0x2000, $0x38;
	[tilespmem:$0x10880] =	vst v63  }
0xf1: {  	_ = 	snop  }
0xf2: {  	[hbm4b:s18+s2] =	stream.linear.scatter [tilespmem:s6], [sflag:$0x1], $0x2000, $0x38;
	[tilespmem:$0x10880] =	vst v63  }
0xf3: {  	_ =	swait.ge [sflag:s8], $0x2000  }
0xf4: {  	[sflag:s8] =	ssyncset.done $0x0  }
0xf5: {  	[sflag:s8] =	ssyncadd.s32 $0xFFFFE000  }
0xf6: {  	_ =	swait.ge [sflag:s8], $0x2000  }
0xf7: {  	[sflag:s8] =	ssyncset.done $0x0  }
0xf8: {  	[sflag:s8] =	ssyncadd.s32 $0xFFFFE000  }
0xf9: {  	_ =	swait.ge [sflag:s8], $0x2000  }
0xfa: {  	[sflag:s8] =	ssyncset.done $0x0  }
0xfb: {  	[sflag:s8] =	ssyncadd.s32 $0xFFFFE000  }
0xfc: {  	_ =	swait.ge [sflag:s8], $0x2000  }
0xfd: {  	[sflag:s8] =	ssyncset.done $0x0  }
0xfe: {  	[sflag:s8] =	ssyncadd.s32 $0xFFFFE000  }
0xff: {  	_ =	swait.ge [sflag:s8], $0x2000  }
0x100: {  	[sflag:s8] =	ssyncset.done $0x0  }
0x101: {  	[sflag:s8] =	ssyncadd.s32 $0xFFFFE000  }
0x102: {  	_ =	swait.ge [sflag:s8], $0x2000  }
0x103: {  	[sflag:s8] =	ssyncset.done $0x0  }
0x104: {  	[sflag:s8] =	ssyncadd.s32 $0xFFFFE000  }
0x105: {  	_ =	swait.ge [sflag:s8], $0x2000  }
0x106: {  	[sflag:s8] =	ssyncset.done $0x0  }
0x107: {  	[sflag:s8] =	ssyncadd.s32 $0xFFFFE000  }
0x108: {  	_ =	swait.ge [sflag:s8], $0x2000  }
0x109: {  	s10 =	sld [smem:$0x7F7]  }
0x10a: {  	[sflag:s8] =	ssyncset.done $0x0  }
0x10b: {  	s12 =	sld [smem:$0x7F8];
	[sflag:s8] =	ssyncadd.s32 $0xFFFFE000  }
0x10c: {  	[hbm4b:s10+s2] =	stream.linear.scatter [tilespmem:s29], [sflag:$0x2], $0x2000, $0x38;
	[tilespmem:$0x10880] =	vst v63  }
0x10d: {  	s13 =	sld [smem:$0x7F9]  }
0x10e: {  	[hbm4b:s12+s2] =	stream.linear.scatter [tilespmem:s30], [sflag:$0x2], $0x2000, $0x38;
	[tilespmem:$0x10880] =	vst v63  }
0x10f: {  	s14 =	sld [smem:$0x7FA]  }
0x110: {  	[hbm4b:s13+s2] =	stream.linear.scatter [tilespmem:s31], [sflag:$0x2], $0x2000, $0x38;
	[tilespmem:$0x10880] =	vst v63  }
0x111: {  	s15 =	sld [smem:$0x7FB]  }
0x112: {  	[hbm4b:s14+s2] =	stream.linear.scatter [tilespmem:s0], [sflag:$0x2], $0x2000, $0x38;
	[tilespmem:$0x10880] =	vst v63  }
0x113: {  	s16 =	sld [smem:$0x7FC]  }
0x114: {  	[hbm4b:s15+s2] =	stream.linear.scatter [tilespmem:s1], [sflag:$0x2], $0x2000, $0x38;
	[tilespmem:$0x10880] =	vst v63  }
0x115: {  	s17 =	sld [smem:$0x7FD]  }
0x116: {  	[hbm4b:s16+s2] =	stream.linear.scatter [tilespmem:s4], [sflag:$0x2], $0x2000, $0x38;
	[tilespmem:$0x10880] =	vst v63  }
0x117: {  	_ = 	snop  }
0x118: {  	[hbm4b:s17+s2] =	stream.linear.scatter [tilespmem:s5], [sflag:$0x2], $0x2000, $0x38;
	[tilespmem:$0x10880] =	vst v63  }
0x119: {  	_ = 	snop  }
0x11a: {  	[hbm4b:s24+s2] =	stream.linear.scatter [tilespmem:s6], [sflag:$0x2], $0x2000, $0x38;
	[tilespmem:$0x10880] =	vst v63  }
0x11b: {  	_ =	swait.ge [sflag:s7], $0x2000  }
0x11c: {  	[sflag:s7] =	ssyncset.done $0x0  }
0x11d: {  	[sflag:s7] =	ssyncadd.s32 $0xFFFFE000  }
0x11e: {  	_ =	swait.ge [sflag:s7], $0x2000  }
0x11f: {  	[sflag:s7] =	ssyncset.done $0x0  }
0x120: {  	[sflag:s7] =	ssyncadd.s32 $0xFFFFE000  }
0x121: {  	_ =	swait.ge [sflag:s7], $0x2000  }
0x122: {  	[sflag:s7] =	ssyncset.done $0x0  }
0x123: {  	[sflag:s7] =	ssyncadd.s32 $0xFFFFE000  }
0x124: {  	_ =	swait.ge [sflag:s7], $0x2000  }
0x125: {  	[sflag:s7] =	ssyncset.done $0x0  }
0x126: {  	[sflag:s7] =	ssyncadd.s32 $0xFFFFE000  }
0x127: {  	_ =	swait.ge [sflag:s7], $0x2000  }
0x128: {  	[sflag:s7] =	ssyncset.done $0x0  }
0x129: {  	[sflag:s7] =	ssyncadd.s32 $0xFFFFE000  }
0x12a: {  	_ =	swait.ge [sflag:s7], $0x2000  }
0x12b: {  	[sflag:s7] =	ssyncset.done $0x0  }
0x12c: {  	[sflag:s7] =	ssyncadd.s32 $0xFFFFE000  }
0x12d: {  	_ =	swait.ge [sflag:s7], $0x2000  }
0x12e: {  	[sflag:s7] =	ssyncset.done $0x0  }
0x12f: {  	[sflag:s7] =	ssyncadd.s32 $0xFFFFE000  }
0x130: {  	_ =	swait.ge [sflag:s7], $0x2000  }
0x131: {  	[sflag:s7] =	ssyncset.done $0x0  }
0x132: {  	[sflag:s7] =	ssyncadd.s32 $0xFFFFE000  }
0x133: {  	_ =	swait.ge [sflag:s8], $0x2000  }
0x134: {  	[sflag:s8] =	ssyncset.done $0x0  }
0x135: {  	[sflag:s8] =	ssyncadd.s32 $0xFFFFE000  }
0x136: {  	_ =	swait.ge [sflag:s8], $0x2000  }
0x137: {  	[sflag:s8] =	ssyncset.done $0x0  }
0x138: {  	[sflag:s8] =	ssyncadd.s32 $0xFFFFE000  }
0x139: {  	_ =	swait.ge [sflag:s8], $0x2000  }
0x13a: {  	[sflag:s8] =	ssyncset.done $0x0  }
0x13b: {  	[sflag:s8] =	ssyncadd.s32 $0xFFFFE000  }
0x13c: {  	_ =	swait.ge [sflag:s8], $0x2000  }
0x13d: {  	[sflag:s8] =	ssyncset.done $0x0  }
0x13e: {  	[sflag:s8] =	ssyncadd.s32 $0xFFFFE000  }
0x13f: {  	_ =	swait.ge [sflag:s8], $0x2000  }
0x140: {  	[sflag:s8] =	ssyncset.done $0x0  }
0x141: {  	[sflag:s8] =	ssyncadd.s32 $0xFFFFE000  }
0x142: {  	_ =	swait.ge [sflag:s8], $0x2000  }
0x143: {  	[sflag:s8] =	ssyncset.done $0x0  }
0x144: {  	[sflag:s8] =	ssyncadd.s32 $0xFFFFE000  }
0x145: {  	_ =	swait.ge [sflag:s8], $0x2000  }
0x146: {  	[sflag:s8] =	ssyncset.done $0x0  }
0x147: {  	[sflag:s8] =	ssyncadd.s32 $0xFFFFE000  }
0x148: {  	_ =	swait.ge [sflag:s8], $0x2000  }
0x149: {  	s9 =	sadd.s32 $0x1, s9;
	s18 =	rddreg [dreg:$0x1e]  }
0x14a: {  	p0 =	sne.s32 s9, s18  }
.Ltmp1:
0x14b: {  	_ = 	snop;
	(pc) =	sbr.rel @p0 .LBB2_1-.Ltmp1, $3  }
0x14c: {  	_ =	sdelay $0x1  }
0x14d: {  	[sflag:s8] =	ssyncset.done $0x0  }
0x14e: {  	[sflag:s8] =	ssyncadd.s32 $0xFFFFE000  }
0x14f: {  	_ =	sfence.sel $0x180000  }
0x150: {  	[bflag:$0x0] =	sbarrier.arrive $0xFFFF  }
0x151: {  	_ =	strace $0x90000047  }
0x152: {  	s0 =	stileid.u32;
	[bflag:$0x2] =	sbarrier.arrive $0xFFFF  }
0x153: {  	p0 =	sne.s32 s0, $0x0;
	s0 =	rddreg [dreg:$0x2]  }
0x154: {  	s0 =	sadd.s32 @!p0 $0x100000, s0  }
0x155: {  	[sflag:s0] =	ssyncadd.tile.s32 @!p0 $0x1;
	_ =	shalt  }
.Lfunc_end2:
_tile_overlayer_lowered:
.L_overlay_start_2:
0x156: {  	(tag) =	ssettag $0x2  }
0x157: {  	s0 =	rddreg [dreg:$0x0];
	s2 =	stileid.u32  }
0x158: {  	s1 =	rddreg [dreg:$0x1];
	p0 =	sne.s32 s2, $0x0  }
0x159: {  	s3 =	rddreg [dreg:$0x2];
	[bflag:$0x3] =	sbarrier.arrive $0xFFFF;
	s2 =	simm.s32 @!p0 $0x1C03  }
0x15a: {  	[timem:s3], [sflag:s2] =	dma.local @!p0 [hbm:s0], s1  }
0x15b: {  	s0 =	simm.s32 @!p0 $0x3  }
0x15c: {  	_ =	swait.ge @!p0 [sflag:s0], s1  }
0x15d: {  	s1 =	ssub.s32 @!p0 $0x0, s1;
	[sflag:s0] =	ssyncset.done @!p0 $0x0  }
0x15e: {  	[sflag:s0] =	ssyncadd.s32 @!p0 s1  }
0x15f: {  	[bflag:$0x3] =	sbarrier.arrive $0xFFFF  }
0x160: {  	_ =	shalt  }

</sc_bundles>
